<compile_context>
chip_gen: v7x
topology: tpu7x:2x2x1
jax: 0.10.2.dev20260603
libtpu: 0.0.44.dev20260713+nightly
codegen_flags: <defaults>
</compile_context>

<pallas_src>
import functools

import jax
import jax.numpy as jnp
from jax.experimental import pallas as pl
from jax.experimental.pallas import tpu as pltpu

E = 8
K = 2
BLK = 256
RBLK = 256
NEG = -1e30


def _ln_router_kernel(x_ref, lnw_ref, lnb_ref, wg_ref, xb_ref, logits_ref):
    x = x_ref[...]
    mu = jnp.mean(x, axis=-1, keepdims=True)
    var = jnp.mean((x - mu) ** 2, axis=-1, keepdims=True)
    xn = (x - mu) / jnp.sqrt(var + 1e-6) * lnw_ref[...] + lnb_ref[...]
    xb_ref[...] = xn.astype(jnp.bfloat16)
    logits_ref[...] = jnp.dot(xn, wg_ref[...],
                              preferred_element_type=jnp.float32)


def _route_kernel(logits_ref, topi_ref, gates_ref, key_ref, cnt_ref,
                  aux_ref, bal_ref):
    lt = jnp.transpose(logits_ref[...])
    T = lt.shape[1]
    TK = T * K
    iota_e = jax.lax.broadcasted_iota(jnp.int32, (E, T), 0)
    m1 = jnp.max(lt, axis=0, keepdims=True)
    i1 = jnp.min(jnp.where(lt == m1, iota_e, E), axis=0, keepdims=True)
    masked = jnp.where(iota_e == i1, NEG, lt)
    m2 = jnp.max(masked, axis=0, keepdims=True)
    i2 = jnp.min(jnp.where(masked == m2, iota_e, E), axis=0, keepdims=True)
    topi_ref[...] = jnp.concatenate([i1, i2], axis=0)
    g1 = 1.0 / (1.0 + jnp.exp(m2 - m1))
    gates_ref[...] = jnp.concatenate([g1, 1.0 - g1], axis=0)
    iota_t = jax.lax.broadcasted_iota(jnp.int32, (1, T), 1)
    key_ref[...] = jnp.concatenate(
        [i1 * TK + iota_t * K, i2 * TK + iota_t * K + 1], axis=0)
    both = ((i1 == iota_e).astype(jnp.int32)
            + (i2 == iota_e).astype(jnp.int32))
    counts = jnp.sum(both, axis=1, keepdims=True)
    acc = counts
    shift = 1
    while shift < E:
        acc = acc + jnp.concatenate(
            [jnp.zeros((shift, 1), jnp.int32), acc[:-shift]], axis=0)
        shift *= 2
    off = acc - counts
    cnt_ref[...] = jnp.concatenate(
        [jnp.transpose(counts), jnp.transpose(off)], axis=0)
    ex = jnp.exp(lt - m1)
    sumex = jnp.sum(ex, axis=0, keepdims=True)
    P = jnp.mean(ex / sumex, axis=1, keepdims=True)
    dens = counts.astype(jnp.float32) / T
    aux_ref[...] = (E * jnp.sum(dens * P)).reshape(1, 1)
    z = m1 + jnp.log(sumex)
    bal_ref[...] = jnp.mean(z * z).reshape(1, 1)


def _expert_kernel(te_ref, rb_ref, lo_ref, hi_ref, tv_ref,
                   xg_ref, g_ref, w1_ref, b1_ref, w2_ref, b2_ref, out_ref):
    s = pl.program_id(0)

    @pl.when(tv_ref[s] > 0)
    def _():
        w1 = w1_ref[0].astype(jnp.bfloat16)
        h = jnp.dot(xg_ref[...], w1, preferred_element_type=jnp.float32)
        h = jax.nn.gelu(h + b1_ref[0])
        w2 = w2_ref[0].astype(jnp.bfloat16)
        y = jnp.dot(h.astype(jnp.bfloat16), w2,
                    preferred_element_type=jnp.float32)
        y = (y + b2_ref[0]) * g_ref[0]
        row = rb_ref[s] * BLK + jax.lax.broadcasted_iota(
            jnp.int32, (BLK, 1), 0)
        mask = (row >= lo_ref[s]) & (row < hi_ref[s])
        out_ref[...] = jnp.where(mask, y, out_ref[...])


@functools.partial(jax.jit, static_argnames=("interpret",))
def kernel(x_img, ln_w, ln_b, Wg, W1, b1, W2, b2, interpret=False):
    Bb, S, C = x_img.shape
    T = Bb * S
    H = W2.shape[-1]
    TK = T * K
    NB = TK // BLK
    NT = NB + E - 1
    x = x_img.reshape(T, C)

    xb, logits = pl.pallas_call(
        _ln_router_kernel,
        grid=(T // RBLK,),
        in_specs=[
            pl.BlockSpec((RBLK, C), lambda i: (i, 0)),
            pl.BlockSpec((1, C), lambda i: (0, 0)),
            pl.BlockSpec((1, C), lambda i: (0, 0)),
            pl.BlockSpec((C, E), lambda i: (0, 0)),
        ],
        out_specs=[
            pl.BlockSpec((RBLK, C), lambda i: (i, 0)),
            pl.BlockSpec((RBLK, E), lambda i: (i, 0)),
        ],
        out_shape=[
            jax.ShapeDtypeStruct((T, C), jnp.bfloat16),
            jax.ShapeDtypeStruct((T, E), jnp.float32),
        ],
        interpret=interpret,
    )(x, ln_w.reshape(1, C), ln_b.reshape(1, C), Wg)

    topi_t, gates_t, key_t, cnt, aux, bal = pl.pallas_call(
        _route_kernel,
        out_shape=[
            jax.ShapeDtypeStruct((K, T), jnp.int32),
            jax.ShapeDtypeStruct((K, T), jnp.float32),
            jax.ShapeDtypeStruct((K, T), jnp.int32),
            jax.ShapeDtypeStruct((2, E), jnp.int32),
            jax.ShapeDtypeStruct((1, 1), jnp.float32),
            jax.ShapeDtypeStruct((1, 1), jnp.float32),
        ],
        interpret=interpret,
    )(logits)

    iota_t = jnp.arange(T, dtype=jnp.int32)
    ks, tok_s, g_s = jax.lax.sort(
        (key_t.reshape(TK), jnp.concatenate([iota_t, iota_t]),
         gates_t.reshape(TK)), num_keys=1)
    srow = ks % TK
    _, dest = jax.lax.sort((srow, jnp.arange(TK, dtype=jnp.int32)),
                           num_keys=1)
    dest2 = dest.reshape(T, K)

    counts = cnt[0]
    off = cnt[1]
    end = off + counts
    first_b = off // BLK
    nb = jnp.where(counts > 0, jnp.maximum(end - 1, 0) // BLK - first_b + 1, 0)
    cum_nb = jnp.cumsum(nb)
    slot_start = cum_nb - nb
    sidx = jnp.arange(NT, dtype=jnp.int32)
    te = jnp.searchsorted(cum_nb, sidx, side="right").astype(jnp.int32)
    tv = (sidx < cum_nb[-1]).astype(jnp.int32)
    te = jnp.minimum(te, E - 1)
    rb = first_b[te] + (sidx - slot_start[te])
    rb = jnp.where(tv > 0, rb, NB - 1).astype(jnp.int32)
    lo = jnp.maximum(rb * BLK, off[te]).astype(jnp.int32)
    hi = jnp.minimum((rb + 1) * BLK, end[te]).astype(jnp.int32)

    xg = jnp.take(xb, tok_s, axis=0)
    g_col = g_s.reshape(NB, BLK, 1)

    grid_spec = pltpu.PrefetchScalarGridSpec(
        num_scalar_prefetch=5,
        grid=(NT,),
        in_specs=[
            pl.BlockSpec((BLK, C), lambda s, te, rb, lo, hi, tv: (rb[s], 0)),
            pl.BlockSpec((1, BLK, 1), lambda s, te, rb, lo, hi, tv: (rb[s], 0, 0)),
            pl.BlockSpec((1, C, H), lambda s, te, rb, lo, hi, tv: (te[s], 0, 0)),
            pl.BlockSpec((1, 1, H), lambda s, te, rb, lo, hi, tv: (te[s], 0, 0)),
            pl.BlockSpec((1, H, H), lambda s, te, rb, lo, hi, tv: (te[s], 0, 0)),
            pl.BlockSpec((1, 1, H), lambda s, te, rb, lo, hi, tv: (te[s], 0, 0)),
        ],
        out_specs=pl.BlockSpec((BLK, H), lambda s, te, rb, lo, hi, tv: (rb[s], 0)),
    )
    y_s = pl.pallas_call(
        _expert_kernel,
        grid_spec=grid_spec,
        out_shape=jax.ShapeDtypeStruct((TK, H), jnp.float32),
        interpret=interpret,
    )(te, rb, lo, hi, tv, xg, g_col, W1, b1.reshape(E, 1, H), W2,
      b2.reshape(E, 1, H))

    out = (jnp.take(y_s, dest2[:, 0], axis=0)
           + jnp.take(y_s, dest2[:, 1], axis=0))

    results = out.reshape(Bb, S, H)
    id_experts = jnp.transpose(topi_t).reshape(Bb, S, K)
    return results, aux[0, 0], id_experts, bal[0, 0]

# --- scband reference (transcript-rebuilt; emitter-appended) ---
"""Pipeline reference for scband-mlpmo-e-22917945492102 (READ-ONLY COPY).

The authoritative reference and input builder live on the scoring server;
editing this copy changes nothing except your own understanding.
"""

import jax, jax.numpy as jnp
import numpy as np

E = 8
K = 2
C = 768   # mm_channels = mm_hidden_size * len(scales)
H = 768   # hidden_size (expert output / inner dim)
B = 1
S = 2048


def setup_inputs(seed: int = 0) -> dict:
    key = jax.random.key(seed)
    ks = jax.random.split(key, 6)
    x_img = jax.random.normal(ks[0], (B, S, C), dtype=jnp.float32)
    ln_w = jnp.ones((C,), dtype=jnp.float32)
    ln_b = jnp.zeros((C,), dtype=jnp.float32)
    Wg = jax.random.normal(ks[1], (C, E), dtype=jnp.float32) * 0.02
    W1 = jax.random.normal(ks[2], (E, C, H), dtype=jnp.float32) * (1.0 / np.sqrt(C))
    b1 = jnp.zeros((E, H), dtype=jnp.float32)
    W2 = jax.random.normal(ks[3], (E, H, H), dtype=jnp.float32) * (1.0 / np.sqrt(H))
    b2 = jnp.zeros((E, H), dtype=jnp.float32)
    return {"x_img": x_img, "ln_w": ln_w, "ln_b": ln_b, "Wg": Wg,
            "W1": W1, "b1": b1, "W2": W2, "b2": b2}


def reference(x_img, ln_w, ln_b, Wg, W1, b1, W2, b2):
    Bb, Ss, Cc = x_img.shape
    x = x_img.reshape(-1, Cc)  # [T, C]
    # layer norm (training-from-scratch path), eps=1e-6
    mu = x.mean(axis=-1, keepdims=True)
    var = x.var(axis=-1, keepdims=True)
    xn = (x - mu) / jnp.sqrt(var + 1e-6) * ln_w + ln_b
    # router
    logits = xn @ Wg                       # [T, E]
    probs = jax.nn.softmax(logits, axis=-1)
    topv, topi = jax.lax.top_k(logits, K)  # [T, K]
    gates = jax.nn.softmax(topv, axis=-1)  # renormalized over selected experts
    onehot = jax.nn.one_hot(topi, E, dtype=x.dtype)          # [T, K, E]
    combine = (onehot * gates[..., None]).sum(axis=1)        # [T, E]
    # experts: Linear(C->H) -> GELU -> Linear(H->H)
    h = jax.nn.gelu(jnp.einsum('tc,ech->teh', xn, W1) + b1[None, :, :])
    y = jnp.einsum('teh,eho->teo', h, W2) + b2[None, :, :]   # [T, E, H]
    out = jnp.einsum('te,teo->to', combine, y)               # [T, H]
    # auxiliary load-balancing loss (Switch-style)
    density = onehot.sum(axis=1).mean(axis=0)                # [E] fraction routed
    P = probs.mean(axis=0)                                   # [E] mean router prob
    aux_loss = E * jnp.sum(density * P)
    # router z-loss as balance loss
    z = jax.scipy.special.logsumexp(logits, axis=-1)
    balance_loss = jnp.mean(z ** 2)
    results = out.reshape(Bb, Ss, -1)
    id_experts = topi.reshape(Bb, Ss, K)
    return results, aux_loss, id_experts, balance_loss

if __name__ == "__main__":
    import jax
    _d = setup_inputs()
    print(jax.jit(kernel)(*tuple(_d.values())))

</pallas_src>

<mosaic_0001>
module attributes {stable_mosaic.version = 14 : i64} {
  func.func @_route_kernel(%arg0: memref<2048x8xf32, #tpu.memory_space<vmem>>, %arg1: memref<2x2048xi32, #tpu.memory_space<vmem>>, %arg2: memref<2x2048xf32, #tpu.memory_space<vmem>>, %arg3: memref<2x2048xi32, #tpu.memory_space<vmem>>, %arg4: memref<2x8xi32, #tpu.memory_space<vmem>>, %arg5: memref<1x1xf32, #tpu.memory_space<vmem>>, %arg6: memref<1x1xf32, #tpu.memory_space<vmem>>) attributes {dimension_semantics = [], scalar_prefetch = 0 : i64, scratch_operands = 0 : i64, tpu.core_type = #tpu.core_type<tc>} {
    %get3A = arith.constant 0 : index
    %get3A_0 = arith.constant 0 : index
    %get3A_1 = vector.load %arg0[%get3A, %get3A_0] : memref<2048x8xf32, #tpu.memory_space<vmem>>, vector<2048x8xf32>
    %transpose3A = tpu.transpose %get3A_1, [1, 0] : vector<2048x8xf32> -> vector<8x2048xf32>
    %iota3A = tpu.iota {dimensions = array<i32: 0>} : vector<8x2048xi32>
    %reduce_max3A = arith.constant dense<0xFF800000> : vector<2048xf32>
    %reduce_max3A_2 = vector.multi_reduction <maximumf>, %transpose3A, %reduce_max3A [0] : vector<8x2048xf32> to vector<2048xf32>
    %broadcast_in_dim3A = vector.shape_cast %reduce_max3A_2 : vector<2048xf32> to vector<1x2048xf32>
    %eq3A = vector.broadcast %broadcast_in_dim3A : vector<1x2048xf32> to vector<8x2048xf32>
    %eq3A_3 = arith.cmpf oeq, %transpose3A, %eq3A : vector<8x2048xf32>
    %jit3A = arith.constant 8 : i32
    %broadcast_in_dim3A_4 = vector.broadcast %jit3A : i32 to vector<8x2048xi32>
    %select_n3A = arith.select %eq3A_3, %iota3A, %broadcast_in_dim3A_4 : vector<8x2048xi1>, vector<8x2048xi32>
    %reduce_min3A = arith.constant dense<2147483647> : vector<2048xi32>
    %reduce_min3A_5 = vector.multi_reduction <minsi>, %select_n3A, %reduce_min3A [0] : vector<8x2048xi32> to vector<2048xi32>
    %broadcast_in_dim3A_6 = vector.shape_cast %reduce_min3A_5 : vector<2048xi32> to vector<1x2048xi32>
    %eq3A_7 = vector.broadcast %broadcast_in_dim3A_6 : vector<1x2048xi32> to vector<8x2048xi32>
    %eq3A_8 = arith.cmpi eq, %iota3A, %eq3A_7 : vector<8x2048xi32>
    %jit3A_9 = arith.constant -1.000000e+30 : f32
    %broadcast_in_dim3A_10 = vector.broadcast %jit3A_9 : f32 to vector<8x2048xf32>
    %select_n3A_11 = arith.select %eq3A_8, %broadcast_in_dim3A_10, %transpose3A : vector<8x2048xi1>, vector<8x2048xf32>
    %reduce_max3A_12 = arith.constant dense<0xFF800000> : vector<2048xf32>
    %reduce_max3A_13 = vector.multi_reduction <maximumf>, %select_n3A_11, %reduce_max3A_12 [0] : vector<8x2048xf32> to vector<2048xf32>
    %broadcast_in_dim3A_14 = vector.shape_cast %reduce_max3A_13 : vector<2048xf32> to vector<1x2048xf32>
    %eq3A_15 = vector.broadcast %broadcast_in_dim3A_14 : vector<1x2048xf32> to vector<8x2048xf32>
    %eq3A_16 = arith.cmpf oeq, %select_n3A_11, %eq3A_15 : vector<8x2048xf32>
    %jit3A_17 = arith.constant 8 : i32
    %broadcast_in_dim3A_18 = vector.broadcast %jit3A_17 : i32 to vector<8x2048xi32>
    %select_n3A_19 = arith.select %eq3A_16, %iota3A, %broadcast_in_dim3A_18 : vector<8x2048xi1>, vector<8x2048xi32>
    %reduce_min3A_20 = arith.constant dense<2147483647> : vector<2048xi32>
    %reduce_min3A_21 = vector.multi_reduction <minsi>, %select_n3A_19, %reduce_min3A_20 [0] : vector<8x2048xi32> to vector<2048xi32>
    %broadcast_in_dim3A_22 = vector.shape_cast %reduce_min3A_21 : vector<2048xi32> to vector<1x2048xi32>
    %concatenate3A = tpu.concatenate %broadcast_in_dim3A_6, %broadcast_in_dim3A_22 in 0 : vector<1x2048xi32>, vector<1x2048xi32> -> vector<2x2048xi32>
    %swap3A = arith.constant 0 : index
    %swap3A_23 = arith.constant 0 : index
    %swap3A_24 = vector.load %arg1[%swap3A, %swap3A_23] : memref<2x2048xi32, #tpu.memory_space<vmem>>, vector<2x2048xi32>
    tpu.vector_store %arg1[%swap3A, %swap3A_23], %concatenate3A {strides = array<i32>} : memref<2x2048xi32, #tpu.memory_space<vmem>>, vector<2x2048xi32>,
    %sub3A = arith.subf %broadcast_in_dim3A_14, %broadcast_in_dim3A : vector<1x2048xf32>
    %exp3A = math.exp %sub3A : vector<1x2048xf32>
    %add3A = arith.constant 1.000000e+00 : f32
    %add3A_25 = vector.broadcast %add3A : f32 to vector<1x2048xf32>
    %add3A_26 = arith.addf %add3A_25, %exp3A : vector<1x2048xf32>
    %div3A = arith.constant 1.000000e+00 : f32
    %div3A_27 = vector.broadcast %div3A : f32 to vector<1x2048xf32>
    %div3A_28 = arith.divf %div3A_27, %add3A_26 : vector<1x2048xf32>
    %sub3A_29 = arith.constant 1.000000e+00 : f32
    %sub3A_30 = vector.broadcast %sub3A_29 : f32 to vector<1x2048xf32>
    %sub3A_31 = arith.subf %sub3A_30, %div3A_28 : vector<1x2048xf32>
    %concatenate3A_32 = tpu.concatenate %div3A_28, %sub3A_31 in 0 : vector<1x2048xf32>, vector<1x2048xf32> -> vector<2x2048xf32>
    %swap3A_33 = arith.constant 0 : index
    %swap3A_34 = arith.constant 0 : index
    %swap3A_35 = vector.load %arg2[%swap3A_33, %swap3A_34] : memref<2x2048xf32, #tpu.memory_space<vmem>>, vector<2x2048xf32>
    tpu.vector_store %arg2[%swap3A_33, %swap3A_34], %concatenate3A_32 {strides = array<i32>} : memref<2x2048xf32, #tpu.memory_space<vmem>>, vector<2x2048xf32>,
    %iota3A_36 = tpu.iota {dimensions = array<i32: 1>} : vector<1x2048xi32>
    %mul3A = arith.constant 4096 : i32
    %mul3A_37 = vector.broadcast %mul3A : i32 to vector<1x2048xi32>
    %mul3A_38 = arith.muli %broadcast_in_dim3A_6, %mul3A_37 : vector<1x2048xi32>
    %mul3A_39 = arith.constant 2 : i32
    %mul3A_40 = vector.broadcast %mul3A_39 : i32 to vector<1x2048xi32>
    %mul3A_41 = arith.muli %iota3A_36, %mul3A_40 : vector<1x2048xi32>
    %add3A_42 = arith.addi %mul3A_38, %mul3A_41 : vector<1x2048xi32>
    %mul3A_43 = arith.constant 4096 : i32
    %mul3A_44 = vector.broadcast %mul3A_43 : i32 to vector<1x2048xi32>
    %mul3A_45 = arith.muli %broadcast_in_dim3A_22, %mul3A_44 : vector<1x2048xi32>
    %mul3A_46 = arith.constant 2 : i32
    %mul3A_47 = vector.broadcast %mul3A_46 : i32 to vector<1x2048xi32>
    %mul3A_48 = arith.muli %iota3A_36, %mul3A_47 : vector<1x2048xi32>
    %add3A_49 = arith.addi %mul3A_45, %mul3A_48 : vector<1x2048xi32>
    %add3A_50 = arith.constant 1 : i32
    %add3A_51 = vector.broadcast %add3A_50 : i32 to vector<1x2048xi32>
    %add3A_52 = arith.addi %add3A_49, %add3A_51 : vector<1x2048xi32>
    %concatenate3A_53 = tpu.concatenate %add3A_42, %add3A_52 in 0 : vector<1x2048xi32>, vector<1x2048xi32> -> vector<2x2048xi32>
    %swap3A_54 = arith.constant 0 : index
    %swap3A_55 = arith.constant 0 : index
    %swap3A_56 = vector.load %arg3[%swap3A_54, %swap3A_55] : memref<2x2048xi32, #tpu.memory_space<vmem>>, vector<2x2048xi32>
    tpu.vector_store %arg3[%swap3A_54, %swap3A_55], %concatenate3A_53 {strides = array<i32>} : memref<2x2048xi32, #tpu.memory_space<vmem>>, vector<2x2048xi32>,
    %eq3A_57 = vector.broadcast %broadcast_in_dim3A_6 : vector<1x2048xi32> to vector<8x2048xi32>
    %eq3A_58 = arith.cmpi eq, %eq3A_57, %iota3A : vector<8x2048xi32>
    %convert_element_type3A = arith.extui %eq3A_58 : vector<8x2048xi1> to vector<8x2048xi32>
    %eq3A_59 = vector.broadcast %broadcast_in_dim3A_22 : vector<1x2048xi32> to vector<8x2048xi32>
    %eq3A_60 = arith.cmpi eq, %eq3A_59, %iota3A : vector<8x2048xi32>
    %convert_element_type3A_61 = arith.extui %eq3A_60 : vector<8x2048xi1> to vector<8x2048xi32>
    %add3A_62 = arith.addi %convert_element_type3A, %convert_element_type3A_61 : vector<8x2048xi32>
    %reduce_sum3A = arith.constant dense<0> : vector<8xi32>
    %reduce_sum3A_63 = vector.multi_reduction <add>, %add3A_62, %reduce_sum3A [1] : vector<8x2048xi32> to vector<8xi32>
    %broadcast_in_dim3A_64 = vector.shape_cast %reduce_sum3A_63 : vector<8xi32> to vector<8x1xi32>
    %broadcast_in_dim3A_65 = arith.constant 0 : i32
    %broadcast_in_dim3A_66 = vector.broadcast %broadcast_in_dim3A_65 : i32 to vector<1x1xi32>
    %slice3A = vector.extract_strided_slice %broadcast_in_dim3A_64 {offsets = [0, 0], sizes = [7, 1], strides = [1, 1]} : vector<8x1xi32> to vector<7x1xi32>
    %concatenate3A_67 = tpu.concatenate %broadcast_in_dim3A_66, %slice3A in 0 : vector<1x1xi32>, vector<7x1xi32> -> vector<8x1xi32>
    %add3A_68 = arith.addi %broadcast_in_dim3A_64, %concatenate3A_67 : vector<8x1xi32>
    %broadcast_in_dim3A_69 = arith.constant 0 : i32
    %broadcast_in_dim3A_70 = vector.broadcast %broadcast_in_dim3A_69 : i32 to vector<2x1xi32>
    %slice3A_71 = vector.extract_strided_slice %add3A_68 {offsets = [0, 0], sizes = [6, 1], strides = [1, 1]} : vector<8x1xi32> to vector<6x1xi32>
    %concatenate3A_72 = tpu.concatenate %broadcast_in_dim3A_70, %slice3A_71 in 0 : vector<2x1xi32>, vector<6x1xi32> -> vector<8x1xi32>
    %add3A_73 = arith.addi %add3A_68, %concatenate3A_72 : vector<8x1xi32>
    %broadcast_in_dim3A_74 = arith.constant 0 : i32
    %broadcast_in_dim3A_75 = vector.broadcast %broadcast_in_dim3A_74 : i32 to vector<4x1xi32>
    %slice3A_76 = vector.extract_strided_slice %add3A_73 {offsets = [0, 0], sizes = [4, 1], strides = [1, 1]} : vector<8x1xi32> to vector<4x1xi32>
    %concatenate3A_77 = tpu.concatenate %broadcast_in_dim3A_75, %slice3A_76 in 0 : vector<4x1xi32>, vector<4x1xi32> -> vector<8x1xi32>
    %add3A_78 = arith.addi %add3A_73, %concatenate3A_77 : vector<8x1xi32>
    %sub3A_79 = arith.subi %add3A_78, %broadcast_in_dim3A_64 : vector<8x1xi32>
    %transpose3A_80 = tpu.transpose %broadcast_in_dim3A_64, [1, 0] : vector<8x1xi32> -> vector<1x8xi32>
    %transpose3A_81 = tpu.transpose %sub3A_79, [1, 0] : vector<8x1xi32> -> vector<1x8xi32>
    %concatenate3A_82 = tpu.concatenate %transpose3A_80, %transpose3A_81 in 0 : vector<1x8xi32>, vector<1x8xi32> -> vector<2x8xi32>
    %swap3A_83 = arith.constant 0 : index
    %swap3A_84 = arith.constant 0 : index
    %swap3A_85 = vector.load %arg4[%swap3A_83, %swap3A_84] : memref<2x8xi32, #tpu.memory_space<vmem>>, vector<2x8xi32>
    tpu.vector_store %arg4[%swap3A_83, %swap3A_84], %concatenate3A_82 {strides = array<i32>} : memref<2x8xi32, #tpu.memory_space<vmem>>, vector<2x8xi32>,
    %sub3A_86 = vector.broadcast %broadcast_in_dim3A : vector<1x2048xf32> to vector<8x2048xf32>
    %sub3A_87 = arith.subf %transpose3A, %sub3A_86 : vector<8x2048xf32>
    %exp3A_88 = math.exp %sub3A_87 : vector<8x2048xf32>
    %reduce_sum3A_89 = arith.constant dense<0.000000e+00> : vector<2048xf32>
    %reduce_sum3A_90 = vector.multi_reduction <add>, %exp3A_88, %reduce_sum3A_89 [0] : vector<8x2048xf32> to vector<2048xf32>
    %broadcast_in_dim3A_91 = vector.shape_cast %reduce_sum3A_90 : vector<2048xf32> to vector<1x2048xf32>
    %div3A_92 = vector.broadcast %broadcast_in_dim3A_91 : vector<1x2048xf32> to vector<8x2048xf32>
    %div3A_93 = arith.divf %exp3A_88, %div3A_92 : vector<8x2048xf32>
    %reduce_sum3A_94 = arith.constant dense<0.000000e+00> : vector<8xf32>
    %reduce_sum3A_95 = vector.multi_reduction <add>, %div3A_93, %reduce_sum3A_94 [1] : vector<8x2048xf32> to vector<8xf32>
    %broadcast_in_dim3A_96 = vector.shape_cast %reduce_sum3A_95 : vector<8xf32> to vector<8x1xf32>
    %div3A_97 = arith.constant 2.048000e+03 : f32
    %div3A_98 = vector.broadcast %div3A_97 : f32 to vector<8x1xf32>
    %div3A_99 = arith.divf %broadcast_in_dim3A_96, %div3A_98 : vector<8x1xf32>
    %convert_element_type3A_100 = arith.sitofp %broadcast_in_dim3A_64 : vector<8x1xi32> to vector<8x1xf32>
    %div3A_101 = arith.constant 2.048000e+03 : f32
    %div3A_102 = vector.broadcast %div3A_101 : f32 to vector<8x1xf32>
    %div3A_103 = arith.divf %convert_element_type3A_100, %div3A_102 : vector<8x1xf32>
    %mul3A_104 = arith.mulf %div3A_103, %div3A_99 : vector<8x1xf32>
    %reduce_sum3A_105 = vector.shape_cast %mul3A_104 : vector<8x1xf32> to vector<1x8x1xf32>
    %reduce_sum3A_106 = arith.constant dense<0.000000e+00> : vector<1xf32>
    %reduce_sum3A_107 = vector.multi_reduction <add>, %reduce_sum3A_105, %reduce_sum3A_106 [1, 2] : vector<1x8x1xf32> to vector<1xf32>
    %reduce_sum3A_108 = vector.shape_cast %reduce_sum3A_107 : vector<1xf32> to vector<1x1x1xf32>
    %reduce_sum3A_109 = vector.extract %reduce_sum3A_108[0, 0, 0] : f32 from vector<1x1x1xf32>
    %mul3A_110 = arith.constant 8.000000e+00 : f32
    %mul3A_111 = arith.mulf %mul3A_110, %reduce_sum3A_109 : f32
    %reshape3A = vector.broadcast %mul3A_111 : f32 to vector<1x1xf32>
    %swap3A_112 = arith.constant 0 : index
    %swap3A_113 = arith.constant 0 : index
    %swap3A_114 = vector.load %arg5[%swap3A_112, %swap3A_113] : memref<1x1xf32, #tpu.memory_space<vmem>>, vector<1x1xf32>
    tpu.vector_store %arg5[%swap3A_112, %swap3A_113], %reshape3A {strides = array<i32>} : memref<1x1xf32, #tpu.memory_space<vmem>>, vector<1x1xf32>,
    %log3A = math.log %broadcast_in_dim3A_91 : vector<1x2048xf32>
    %add3A_115 = arith.addf %broadcast_in_dim3A, %log3A : vector<1x2048xf32>
    %mul3A_116 = arith.mulf %add3A_115, %add3A_115 : vector<1x2048xf32>
    %reduce_sum3A_117 = vector.shape_cast %mul3A_116 : vector<1x2048xf32> to vector<1x1x2048xf32>
    %reduce_sum3A_118 = arith.constant dense<0.000000e+00> : vector<1xf32>
    %reduce_sum3A_119 = vector.multi_reduction <add>, %reduce_sum3A_117, %reduce_sum3A_118 [1, 2] : vector<1x1x2048xf32> to vector<1xf32>
    %reduce_sum3A_120 = vector.shape_cast %reduce_sum3A_119 : vector<1xf32> to vector<1x1x1xf32>
    %reduce_sum3A_121 = vector.extract %reduce_sum3A_120[0, 0, 0] : f32 from vector<1x1x1xf32>
    %div3A_122 = arith.constant 2.048000e+03 : f32
    %div3A_123 = arith.divf %reduce_sum3A_121, %div3A_122 : f32
    %reshape3A_124 = vector.broadcast %div3A_123 : f32 to vector<1x1xf32>
    %swap3A_125 = arith.constant 0 : index
    %swap3A_126 = arith.constant 0 : index
    %swap3A_127 = vector.load %arg6[%swap3A_125, %swap3A_126] : memref<1x1xf32, #tpu.memory_space<vmem>>, vector<1x1xf32>
    tpu.vector_store %arg6[%swap3A_125, %swap3A_126], %reshape3A_124 {strides = array<i32>} : memref<1x1xf32, #tpu.memory_space<vmem>>, vector<1x1xf32>,
    return
  }
}

module attributes {stable_mosaic.version = 14 : i64} {
  func.func @_ln_router_kernel(%arg0: i32, %arg1: memref<256x768xf32, #tpu.memory_space<vmem>>, %arg2: memref<1x768xf32, #tpu.memory_space<vmem>>, %arg3: memref<1x768xf32, #tpu.memory_space<vmem>>, %arg4: memref<768x8xf32, #tpu.memory_space<vmem>>, %arg5: memref<256x768xbf16, #tpu.memory_space<vmem>>, %arg6: memref<256x8xf32, #tpu.memory_space<vmem>>) attributes {dimension_semantics = [#tpu.dimension_semantics<arbitrary>], iteration_bounds = array<i64: 8>, scalar_prefetch = 0 : i64, scratch_operands = 0 : i64, tpu.core_type = #tpu.core_type<tc>, window_params = [{transform_indices = @transform_0, window_bounds = array<i64: 256, 768>}, {pipeline_mode = #tpu.pipeline_mode<synchronous>, transform_indices = @transform_1, window_bounds = array<i64: 1, 768>}, {pipeline_mode = #tpu.pipeline_mode<synchronous>, transform_indices = @transform_2, window_bounds = array<i64: 1, 768>}, {pipeline_mode = #tpu.pipeline_mode<synchronous>, transform_indices = @transform_3, window_bounds = array<i64: 768, 8>}, {transform_indices = @transform_4, window_bounds = array<i64: 256, 768>}, {transform_indices = @transform_5, window_bounds = array<i64: 256, 8>}]} {
    %get3A = arith.constant 0 : index
    %get3A_0 = arith.constant 0 : index
    %get3A_1 = vector.load %arg1[%get3A, %get3A_0] : memref<256x768xf32, #tpu.memory_space<vmem>>, vector<256x768xf32>
    %reduce_sum3A = arith.constant dense<0.000000e+00> : vector<256xf32>
    %reduce_sum3A_2 = vector.multi_reduction <add>, %get3A_1, %reduce_sum3A [1] : vector<256x768xf32> to vector<256xf32>
    %broadcast_in_dim3A = vector.shape_cast %reduce_sum3A_2 : vector<256xf32> to vector<256x1xf32>
    %div3A = arith.constant 7.680000e+02 : f32
    %div3A_3 = vector.broadcast %div3A : f32 to vector<256x1xf32>
    %div3A_4 = arith.divf %broadcast_in_dim3A, %div3A_3 : vector<256x1xf32>
    %sub3A = vector.broadcast %div3A_4 : vector<256x1xf32> to vector<256x768xf32>
    %sub3A_5 = arith.subf %get3A_1, %sub3A : vector<256x768xf32>
    %integer_pow3A = arith.mulf %sub3A_5, %sub3A_5 : vector<256x768xf32>
    %reduce_sum3A_6 = arith.constant dense<0.000000e+00> : vector<256xf32>
    %reduce_sum3A_7 = vector.multi_reduction <add>, %integer_pow3A, %reduce_sum3A_6 [1] : vector<256x768xf32> to vector<256xf32>
    %broadcast_in_dim3A_8 = vector.shape_cast %reduce_sum3A_7 : vector<256xf32> to vector<256x1xf32>
    %div3A_9 = arith.constant 7.680000e+02 : f32
    %div3A_10 = vector.broadcast %div3A_9 : f32 to vector<256x1xf32>
    %div3A_11 = arith.divf %broadcast_in_dim3A_8, %div3A_10 : vector<256x1xf32>
    %sub3A_12 = vector.broadcast %div3A_4 : vector<256x1xf32> to vector<256x768xf32>
    %sub3A_13 = arith.subf %get3A_1, %sub3A_12 : vector<256x768xf32>
    %add3A = arith.constant 9.99999997E-7 : f32
    %add3A_14 = vector.broadcast %add3A : f32 to vector<256x1xf32>
    %add3A_15 = arith.addf %div3A_11, %add3A_14 : vector<256x1xf32>
    %sqrt3A = math.sqrt %add3A_15 : vector<256x1xf32>
    %div3A_16 = vector.broadcast %sqrt3A : vector<256x1xf32> to vector<256x768xf32>
    %div3A_17 = arith.divf %sub3A_13, %div3A_16 : vector<256x768xf32>
    %get3A_18 = arith.constant 0 : index
    %get3A_19 = arith.constant 0 : index
    %get3A_20 = vector.load %arg2[%get3A_18, %get3A_19] : memref<1x768xf32, #tpu.memory_space<vmem>>, vector<1x768xf32>
    %mul3A = vector.broadcast %get3A_20 : vector<1x768xf32> to vector<256x768xf32>
    %mul3A_21 = arith.mulf %div3A_17, %mul3A : vector<256x768xf32>
    %get3A_22 = arith.constant 0 : index
    %get3A_23 = arith.constant 0 : index
    %get3A_24 = vector.load %arg3[%get3A_22, %get3A_23] : memref<1x768xf32, #tpu.memory_space<vmem>>, vector<1x768xf32>
    %add3A_25 = vector.broadcast %get3A_24 : vector<1x768xf32> to vector<256x768xf32>
    %add3A_26 = arith.addf %mul3A_21, %add3A_25 : vector<256x768xf32>
    %convert_element_type3A = arith.truncf %add3A_26 : vector<256x768xf32> to vector<256x768xbf16>
    %swap3A = arith.constant 0 : index
    %swap3A_27 = arith.constant 0 : index
    %swap3A_28 = vector.load %arg5[%swap3A, %swap3A_27] : memref<256x768xbf16, #tpu.memory_space<vmem>>, vector<256x768xbf16>
    tpu.vector_store %arg5[%swap3A, %swap3A_27], %convert_element_type3A {strides = array<i32>} : memref<256x768xbf16, #tpu.memory_space<vmem>>, vector<256x768xbf16>,
    %get3A_29 = arith.constant 0 : index
    %get3A_30 = arith.constant 0 : index
    %get3A_31 = vector.load %arg4[%get3A_29, %get3A_30] : memref<768x8xf32, #tpu.memory_space<vmem>>, vector<768x8xf32>
    %dot_general3A = arith.constant dense<0.000000e+00> : vector<256x8xf32>
    %dot_general3A_32 = tpu.matmul %add3A_26, %get3A_31, %dot_general3A {dimension_numbers = #tpu.dot_dimension_numbers<[1], [0], [0], [1], [0, 0, 1, 1], [], []>, transpose_lhs_hint = false} : vector<256x768xf32>, vector<768x8xf32>, vector<256x8xf32> -> vector<256x8xf32>
    %swap3A_33 = arith.constant 0 : index
    %swap3A_34 = arith.constant 0 : index
    %swap3A_35 = vector.load %arg6[%swap3A_33, %swap3A_34] : memref<256x8xf32, #tpu.memory_space<vmem>>, vector<256x8xf32>
    tpu.vector_store %arg6[%swap3A_33, %swap3A_34], %dot_general3A_32 {strides = array<i32>} : memref<256x8xf32, #tpu.memory_space<vmem>>, vector<256x8xf32>,
    return
  }
  func.func @transform_0(%arg0: i32) -> (i32, i32) {
    %c0_i32 = arith.constant 0 : i32
    %c0_i32_0 = arith.constant 0 : i32
    return %arg0, %c0_i32 : i32, i32
  }
  func.func @transform_1(%arg0: i32) -> (i32, i32) {
    %c0_i32 = arith.constant 0 : i32
    %c0_i32_0 = arith.constant 0 : i32
    %c0_i32_1 = arith.constant 0 : i32
    return %c0_i32, %c0_i32_0 : i32, i32
  }
  func.func @transform_2(%arg0: i32) -> (i32, i32) {
    %c0_i32 = arith.constant 0 : i32
    %c0_i32_0 = arith.constant 0 : i32
    %c0_i32_1 = arith.constant 0 : i32
    return %c0_i32, %c0_i32_0 : i32, i32
  }
  func.func @transform_3(%arg0: i32) -> (i32, i32) {
    %c0_i32 = arith.constant 0 : i32
    %c0_i32_0 = arith.constant 0 : i32
    %c0_i32_1 = arith.constant 0 : i32
    return %c0_i32, %c0_i32_0 : i32, i32
  }
  func.func @transform_4(%arg0: i32) -> (i32, i32) {
    %c0_i32 = arith.constant 0 : i32
    %c0_i32_0 = arith.constant 0 : i32
    return %arg0, %c0_i32 : i32, i32
  }
  func.func @transform_5(%arg0: i32) -> (i32, i32) {
    %c0_i32 = arith.constant 0 : i32
    %c0_i32_0 = arith.constant 0 : i32
    return %arg0, %c0_i32 : i32, i32
  }
}

module attributes {stable_mosaic.version = 14 : i64} {
  func.func @_expert_kernel(%arg0: i32, %arg1: memref<23xi32, #tpu.memory_space<smem>>, %arg2: memref<23xi32, #tpu.memory_space<smem>>, %arg3: memref<23xi32, #tpu.memory_space<smem>>, %arg4: memref<23xi32, #tpu.memory_space<smem>>, %arg5: memref<23xi32, #tpu.memory_space<smem>>, %arg6: memref<256x768xbf16, #tpu.memory_space<vmem>>, %arg7: memref<1x256x1xf32, #tpu.memory_space<vmem>>, %arg8: memref<1x768x768xf32, #tpu.memory_space<vmem>>, %arg9: memref<1x1x768xf32, #tpu.memory_space<vmem>>, %arg10: memref<1x768x768xf32, #tpu.memory_space<vmem>>, %arg11: memref<1x1x768xf32, #tpu.memory_space<vmem>>, %arg12: memref<256x768xf32, #tpu.memory_space<vmem>>) attributes {dimension_semantics = [#tpu.dimension_semantics<arbitrary>], iteration_bounds = array<i64: 23>, scalar_prefetch = 5 : i64, scratch_operands = 0 : i64, tpu.core_type = #tpu.core_type<tc>, window_params = [{transform_indices = @transform_0, window_bounds = array<i64: 256, 768>}, {transform_indices = @transform_1, window_bounds = array<i64: 1, 256, 1>}, {transform_indices = @transform_2, window_bounds = array<i64: 1, 768, 768>}, {transform_indices = @transform_3, window_bounds = array<i64: 1, 1, 768>}, {transform_indices = @transform_4, window_bounds = array<i64: 1, 768, 768>}, {transform_indices = @transform_5, window_bounds = array<i64: 1, 1, 768>}, {transform_indices = @transform_6, window_bounds = array<i64: 256, 768>}]} {
    %get3A = arith.index_cast %arg0 : i32 to index
    %get3A_0 = memref.load %arg5[%get3A] : memref<23xi32, #tpu.memory_space<smem>>
    %gt3A = arith.constant 0 : i32
    %gt3A_1 = arith.cmpi sgt, %get3A_0, %gt3A : i32
    %convert_element_type3A = arith.extui %gt3A_1 : i1 to i32
    %cond3A = arith.constant 0 : i32
    %cond3A_2 = arith.cmpi ne, %convert_element_type3A, %cond3A : i32
    scf.if %cond3A_2 {
      %get3A_3 = arith.constant 0 : index
      %get3A_4 = arith.constant 0 : index
      %get3A_5 = arith.constant 0 : index
      %get3A_6 = vector.load %arg8[%get3A_3, %get3A_4, %get3A_5] : memref<1x768x768xf32, #tpu.memory_space<vmem>>, vector<1x768x768xf32>
      %get3A_7 = vector.shape_cast %get3A_6 : vector<1x768x768xf32> to vector<768x768xf32>
      %convert_element_type3A_8 = arith.truncf %get3A_7 : vector<768x768xf32> to vector<768x768xbf16>
      %get3A_9 = arith.constant 0 : index
      %get3A_10 = arith.constant 0 : index
      %get3A_11 = vector.load %arg6[%get3A_9, %get3A_10] : memref<256x768xbf16, #tpu.memory_space<vmem>>, vector<256x768xbf16>
      %dot_general3A = arith.constant dense<0.000000e+00> : vector<256x768xf32>
      %dot_general3A_12 = tpu.matmul %get3A_11, %convert_element_type3A_8, %dot_general3A {dimension_numbers = #tpu.dot_dimension_numbers<[1], [0], [0], [1], [0, 0, 1, 1], [], []>, transpose_lhs_hint = false} : vector<256x768xbf16>, vector<768x768xbf16>, vector<256x768xf32> -> vector<256x768xf32>
      %get3A_13 = arith.constant 0 : index
      %get3A_14 = arith.constant 0 : index
      %get3A_15 = arith.constant 0 : index
      %get3A_16 = vector.load %arg9[%get3A_13, %get3A_14, %get3A_15] : memref<1x1x768xf32, #tpu.memory_space<vmem>>, vector<1x1x768xf32>
      %get3A_17 = vector.shape_cast %get3A_16 : vector<1x1x768xf32> to vector<1x768xf32>
      %add3A = vector.broadcast %get3A_17 : vector<1x768xf32> to vector<256x768xf32>
      %add3A_18 = arith.addf %dot_general3A_12, %add3A : vector<256x768xf32>
      %integer_pow3A = arith.mulf %add3A_18, %add3A_18 : vector<256x768xf32>
      %integer_pow3A_19 = arith.mulf %add3A_18, %integer_pow3A : vector<256x768xf32>
      %mul3A = arith.constant 4.471500e-02 : f32
      %mul3A_20 = vector.broadcast %mul3A : f32 to vector<256x768xf32>
      %mul3A_21 = arith.mulf %mul3A_20, %integer_pow3A_19 : vector<256x768xf32>
      %add3A_22 = arith.addf %add3A_18, %mul3A_21 : vector<256x768xf32>
      %mul3A_23 = arith.constant 0.797884583 : f32
      %mul3A_24 = vector.broadcast %mul3A_23 : f32 to vector<256x768xf32>
      %mul3A_25 = arith.mulf %mul3A_24, %add3A_22 : vector<256x768xf32>
      %tanh3A = math.tanh %mul3A_25 : vector<256x768xf32>
      %add3A_26 = arith.constant 1.000000e+00 : f32
      %add3A_27 = vector.broadcast %add3A_26 : f32 to vector<256x768xf32>
      %add3A_28 = arith.addf %add3A_27, %tanh3A : vector<256x768xf32>
      %mul3A_29 = arith.constant 5.000000e-01 : f32
      %mul3A_30 = vector.broadcast %mul3A_29 : f32 to vector<256x768xf32>
      %mul3A_31 = arith.mulf %mul3A_30, %add3A_28 : vector<256x768xf32>
      %mul3A_32 = arith.mulf %add3A_18, %mul3A_31 : vector<256x768xf32>
      %get3A_33 = arith.constant 0 : index
      %get3A_34 = arith.constant 0 : index
      %get3A_35 = arith.constant 0 : index
      %get3A_36 = vector.load %arg10[%get3A_33, %get3A_34, %get3A_35] : memref<1x768x768xf32, #tpu.memory_space<vmem>>, vector<1x768x768xf32>
      %get3A_37 = vector.shape_cast %get3A_36 : vector<1x768x768xf32> to vector<768x768xf32>
      %convert_element_type3A_38 = arith.truncf %get3A_37 : vector<768x768xf32> to vector<768x768xbf16>
      %convert_element_type3A_39 = arith.truncf %mul3A_32 : vector<256x768xf32> to vector<256x768xbf16>
      %dot_general3A_40 = arith.constant dense<0.000000e+00> : vector<256x768xf32>
      %dot_general3A_41 = tpu.matmul %convert_element_type3A_39, %convert_element_type3A_38, %dot_general3A_40 {dimension_numbers = #tpu.dot_dimension_numbers<[1], [0], [0], [1], [0, 0, 1, 1], [], []>, transpose_lhs_hint = false} : vector<256x768xbf16>, vector<768x768xbf16>, vector<256x768xf32> -> vector<256x768xf32>
      %get3A_42 = arith.constant 0 : index
      %get3A_43 = arith.constant 0 : index
      %get3A_44 = arith.constant 0 : index
      %get3A_45 = vector.load %arg11[%get3A_42, %get3A_43, %get3A_44] : memref<1x1x768xf32, #tpu.memory_space<vmem>>, vector<1x1x768xf32>
      %get3A_46 = vector.shape_cast %get3A_45 : vector<1x1x768xf32> to vector<1x768xf32>
      %add3A_47 = vector.broadcast %get3A_46 : vector<1x768xf32> to vector<256x768xf32>
      %add3A_48 = arith.addf %dot_general3A_41, %add3A_47 : vector<256x768xf32>
      %get3A_49 = arith.constant 0 : index
      %get3A_50 = arith.constant 0 : index
      %get3A_51 = arith.constant 0 : index
      %get3A_52 = vector.load %arg7[%get3A_49, %get3A_50, %get3A_51] : memref<1x256x1xf32, #tpu.memory_space<vmem>>, vector<1x256x1xf32>
      %get3A_53 = vector.shape_cast %get3A_52 : vector<1x256x1xf32> to vector<256x1xf32>
      %mul3A_54 = vector.broadcast %get3A_53 : vector<256x1xf32> to vector<256x768xf32>
      %mul3A_55 = arith.mulf %add3A_48, %mul3A_54 : vector<256x768xf32>
      %get3A_56 = arith.index_cast %arg0 : i32 to index
      %get3A_57 = memref.load %arg2[%get3A_56] : memref<23xi32, #tpu.memory_space<smem>>
      %mul3A_58 = arith.constant 256 : i32
      %mul3A_59 = arith.muli %get3A_57, %mul3A_58 : i32
      %iota3A = tpu.iota {dimensions = array<i32: 0>} : vector<256x1xi32>
      %add3A_60 = vector.broadcast %mul3A_59 : i32 to vector<256x1xi32>
      %add3A_61 = arith.addi %add3A_60, %iota3A : vector<256x1xi32>
      %get3A_62 = arith.index_cast %arg0 : i32 to index
      %get3A_63 = memref.load %arg3[%get3A_62] : memref<23xi32, #tpu.memory_space<smem>>
      %ge3A = vector.broadcast %get3A_63 : i32 to vector<256x1xi32>
      %ge3A_64 = arith.cmpi sge, %add3A_61, %ge3A : vector<256x1xi32>
      %get3A_65 = arith.index_cast %arg0 : i32 to index
      %get3A_66 = memref.load %arg4[%get3A_65] : memref<23xi32, #tpu.memory_space<smem>>
      %lt3A = vector.broadcast %get3A_66 : i32 to vector<256x1xi32>
      %lt3A_67 = arith.cmpi slt, %add3A_61, %lt3A : vector<256x1xi32>
      %and3A = arith.andi %ge3A_64, %lt3A_67 : vector<256x1xi1>
      %get3A_68 = arith.constant 0 : index
      %get3A_69 = arith.constant 0 : index
      %get3A_70 = vector.load %arg12[%get3A_68, %get3A_69] : memref<256x768xf32, #tpu.memory_space<vmem>>, vector<256x768xf32>
      %broadcast_in_dim3A = vector.shape_cast %and3A : vector<256x1xi1> to vector<256x1xi1>
      %broadcast_in_dim3A_71 = vector.broadcast %broadcast_in_dim3A : vector<256x1xi1> to vector<256x768xi1>
      %select_n3A = arith.select %broadcast_in_dim3A_71, %mul3A_55, %get3A_70 : vector<256x768xi1>, vector<256x768xf32>
      %swap3A = arith.constant 0 : index
      %swap3A_72 = arith.constant 0 : index
      %swap3A_73 = vector.load %arg12[%swap3A, %swap3A_72] : memref<256x768xf32, #tpu.memory_space<vmem>>, vector<256x768xf32>
      tpu.vector_store %arg12[%swap3A, %swap3A_72], %select_n3A {strides = array<i32>} : memref<256x768xf32, #tpu.memory_space<vmem>>, vector<256x768xf32>,
    } else {
    }
    return
  }
  func.func @transform_0(%arg0: i32, %arg1: memref<23xi32, #tpu.memory_space<smem>>, %arg2: memref<23xi32, #tpu.memory_space<smem>>, %arg3: memref<23xi32, #tpu.memory_space<smem>>, %arg4: memref<23xi32, #tpu.memory_space<smem>>, %arg5: memref<23xi32, #tpu.memory_space<smem>>) -> (i32, i32) {
    %get3A = arith.index_cast %arg0 : i32 to index
    %get3A_0 = memref.load %arg2[%get3A] : memref<23xi32, #tpu.memory_space<smem>>
    %c0_i32 = arith.constant 0 : i32
    %c0_i32_1 = arith.constant 0 : i32
    return %get3A_0, %c0_i32 : i32, i32
  }
  func.func @transform_1(%arg0: i32, %arg1: memref<23xi32, #tpu.memory_space<smem>>, %arg2: memref<23xi32, #tpu.memory_space<smem>>, %arg3: memref<23xi32, #tpu.memory_space<smem>>, %arg4: memref<23xi32, #tpu.memory_space<smem>>, %arg5: memref<23xi32, #tpu.memory_space<smem>>) -> (i32, i32, i32) {
    %get3A = arith.index_cast %arg0 : i32 to index
    %get3A_0 = memref.load %arg2[%get3A] : memref<23xi32, #tpu.memory_space<smem>>
    %c0_i32 = arith.constant 0 : i32
    %c0_i32_1 = arith.constant 0 : i32
    %c0_i32_2 = arith.constant 0 : i32
    return %get3A_0, %c0_i32, %c0_i32_1 : i32, i32, i32
  }
  func.func @transform_2(%arg0: i32, %arg1: memref<23xi32, #tpu.memory_space<smem>>, %arg2: memref<23xi32, #tpu.memory_space<smem>>, %arg3: memref<23xi32, #tpu.memory_space<smem>>, %arg4: memref<23xi32, #tpu.memory_space<smem>>, %arg5: memref<23xi32, #tpu.memory_space<smem>>) -> (i32, i32, i32) {
    %get3A = arith.index_cast %arg0 : i32 to index
    %get3A_0 = memref.load %arg1[%get3A] : memref<23xi32, #tpu.memory_space<smem>>
    %c0_i32 = arith.constant 0 : i32
    %c0_i32_1 = arith.constant 0 : i32
    %c0_i32_2 = arith.constant 0 : i32
    return %get3A_0, %c0_i32, %c0_i32_1 : i32, i32, i32
  }
  func.func @transform_3(%arg0: i32, %arg1: memref<23xi32, #tpu.memory_space<smem>>, %arg2: memref<23xi32, #tpu.memory_space<smem>>, %arg3: memref<23xi32, #tpu.memory_space<smem>>, %arg4: memref<23xi32, #tpu.memory_space<smem>>, %arg5: memref<23xi32, #tpu.memory_space<smem>>) -> (i32, i32, i32) {
    %get3A = arith.index_cast %arg0 : i32 to index
    %get3A_0 = memref.load %arg1[%get3A] : memref<23xi32, #tpu.memory_space<smem>>
    %c0_i32 = arith.constant 0 : i32
    %c0_i32_1 = arith.constant 0 : i32
    %c0_i32_2 = arith.constant 0 : i32
    return %get3A_0, %c0_i32, %c0_i32_1 : i32, i32, i32
  }
  func.func @transform_4(%arg0: i32, %arg1: memref<23xi32, #tpu.memory_space<smem>>, %arg2: memref<23xi32, #tpu.memory_space<smem>>, %arg3: memref<23xi32, #tpu.memory_space<smem>>, %arg4: memref<23xi32, #tpu.memory_space<smem>>, %arg5: memref<23xi32, #tpu.memory_space<smem>>) -> (i32, i32, i32) {
    %get3A = arith.index_cast %arg0 : i32 to index
    %get3A_0 = memref.load %arg1[%get3A] : memref<23xi32, #tpu.memory_space<smem>>
    %c0_i32 = arith.constant 0 : i32
    %c0_i32_1 = arith.constant 0 : i32
    %c0_i32_2 = arith.constant 0 : i32
    return %get3A_0, %c0_i32, %c0_i32_1 : i32, i32, i32
  }
  func.func @transform_5(%arg0: i32, %arg1: memref<23xi32, #tpu.memory_space<smem>>, %arg2: memref<23xi32, #tpu.memory_space<smem>>, %arg3: memref<23xi32, #tpu.memory_space<smem>>, %arg4: memref<23xi32, #tpu.memory_space<smem>>, %arg5: memref<23xi32, #tpu.memory_space<smem>>) -> (i32, i32, i32) {
    %get3A = arith.index_cast %arg0 : i32 to index
    %get3A_0 = memref.load %arg1[%get3A] : memref<23xi32, #tpu.memory_space<smem>>
    %c0_i32 = arith.constant 0 : i32
    %c0_i32_1 = arith.constant 0 : i32
    %c0_i32_2 = arith.constant 0 : i32
    return %get3A_0, %c0_i32, %c0_i32_1 : i32, i32, i32
  }
  func.func @transform_6(%arg0: i32, %arg1: memref<23xi32, #tpu.memory_space<smem>>, %arg2: memref<23xi32, #tpu.memory_space<smem>>, %arg3: memref<23xi32, #tpu.memory_space<smem>>, %arg4: memref<23xi32, #tpu.memory_space<smem>>, %arg5: memref<23xi32, #tpu.memory_space<smem>>) -> (i32, i32) {
    %get3A = arith.index_cast %arg0 : i32 to index
    %get3A_0 = memref.load %arg2[%get3A] : memref<23xi32, #tpu.memory_space<smem>>
    %c0_i32 = arith.constant 0 : i32
    %c0_i32_1 = arith.constant 0 : i32
    return %get3A_0, %c0_i32 : i32, i32
  }
}

</mosaic_0001>

<sc_bundles>
// kernel: gather_offload_async_start.1
scs
__scs_entry_jumppad:
0x0: {  	(pc) =	sbr.rel $0x88, $3  }
0x1: {  	(tag) =	ssettag $0x0;
	lr =	simm.s32 $0x1  }
0x2: {  	[smem:$0x3F99] =	sst lr;
	_ =	strace $0xD0000000  }
0x3: {  	_ = 	snop  }
0x4: {  	_ = 	snop  }
0x5: {  	_ = 	snop  }
0x6: {  	_ = 	snop  }
0x7: {  	_ = 	snop  }
__scs_overlays_trampoline_lowered:
0x8: {  	[smem:$0x3FA8] =	sst s0  }
0x9: {  	[smem:$0x3FA9] =	sst s1  }
0xa: {  	[smem:$0x3FAA] =	sst s2  }
0xb: {  	[smem:$0x3FAB] =	sst s3  }
0xc: {  	[smem:$0x3FAC] =	sst s4  }
0xd: {  	[smem:$0x3FAD] =	sst s5  }
0xe: {  	[smem:$0x3FAE] =	sst s6  }
0xf: {  	[smem:$0x3FAF] =	sst s7  }
0x10: {  	[smem:$0x3FB0] =	sst s8  }
0x11: {  	[smem:$0x3FB1] =	sst s9;
	s0 =	simm.s32 @!p0 $0x0  }
0x12: {  	s1 =	sld [smem:$0x3F97];
	s0 =	simm.s32 @p0 $0x1  }
0x13: {  	[smem:$0x3FB2] =	sst s0;
	s0 =	simm.s32 @!p1 $0x0  }
0x14: {  	s2 =	sld [smem:$0x3F96];
	s0 =	simm.s32 @p1 $0x1  }
0x15: {  	[smem:$0x3FB3] =	sst s0;
	s0 =	simm.s32 @!p2 $0x0  }
0x16: {  	s3 =	sld [smem:$0x3FDB];
	s0 =	simm.s32 @p2 $0x1  }
0x17: {  	s4 =	simm.s32 $0x1BF5;
	[smem:$0x3FB5] =	sst s0  }
0x18: {  	s0 =	sld [smem:$0x3F98];
	_ =	swait.ge [sflag:s4], $0x0  }
0x19: {  	s7 =	sld [smem:$0x3F99]  }
0x1a: {  	s8 =	sadd.s32 $0xFFFFE003, lr  }
0x1b: {  	s9 =	sadd.s32 $0xFFFFFEF7, lr;
	s5 =	simm.s32 $0xFFFFFFFF;
	p2 =	slt.u32 s8, $0xFFFFF086  }
0x1c: {  	p1 =	slt.u32 s9, $0xF7A;
	s5 =	simm.s32 @!p2 $0x0  }
0x1d: {  	s5 =	simm.s32 @p1 $0x1;
	p0 =	seq.s32 s7, s2  }
0x1e: {  	s7 =	smul.u32 @!p0 $0xF7A, s2;
	p2 =	seq.s32 @!p0 s5, $0x0  }
0x1f: {  	s9 =	smul.u32 $0xF7A, s1;
	s8 =	simm.s32 @!p0 $0x1BF5;
	p2 =	por !p2, p0  }
0x20: {  	[sflag:s8] =	ssyncset.s32 @!p0 $0xFFFFF086;
	s6 =	sadd.s32 @!p0 s3, s7;
	s7 =	simm.s32 @!p0 $0x108  }
0x21: {  	s3 =	sadd.s32 s3, s9;
	s6 =	sadd.s32 @!p0 $0x88, s6;
	s7 =	simm.s32 @p2 $0x1082  }
0x22: {  	[simem:s7], [sflag:s8] =	dma.local @!p0 [hbm:s6], $0xF7A  }
0x23: {  	s9 =	sor.u32 $0xD0000000, s2;
	s6 =	simm.s32 $0x108;
	_ =	swait.ge @!p0 [sflag:s8], $0x0  }
0x24: {  	s3 =	sadd.s32 $0x88, s3;
	s6 =	simm.s32 @!p1 $0x1082;
	[sflag:s4] =	ssyncset.s32 $0xFFFFF086  }
0x25: {  	[simem:s6], [sflag:s4] =	dma.local [hbm:s3], $0xF7A  }
0x26: {  	[smem:$0x3F99] =	sst s1;
	(tag) =	ssettag s2;
	_ =	strace s9  }
0x27: {  	s1 =	sld [smem:$0x3FA9]  }
0x28: {  	s2 =	sld [smem:$0x3FAA]  }
0x29: {  	s4 =	sld [smem:$0x3FAC]  }
0x2a: {  	p0 =	seq.s32 s5, $0x0;
	s5 =	sld [smem:$0x3FAD]  }
0x2b: {  	s6 =	sld [smem:$0x3FAE]  }
0x2c: {  	s7 =	sld [smem:$0x3FAF]  }
0x2d: {  	s3 =	simm.s32 $0x108;
	s8 =	sld [smem:$0x3FB0]  }
0x2e: {  	s3 =	simm.s32 @!p0 $0x1082;
	s9 =	sld [smem:$0x3FB1]  }
0x2f: {  	lr =	sadd.s32 s0, s3;
	s0 =	sld [smem:$0x3FA8]  }
0x30: {  	s3 =	sld [smem:$0x3FAB]  }
0x31: {  	[smem:$0x3FB4] =	sst s10  }
0x32: {  	s10 =	sld [smem:$0x3FB2];
	_ =	sdelay $0x3  }
0x33: {  	p0 =	seq.s32 s10, $0x1;
	s10 =	sld [smem:$0x3FB4];
	_ =	sdelay $0x3  }
0x34: {  	[smem:$0x3FB4] =	sst s10  }
0x35: {  	s10 =	sld [smem:$0x3FB3];
	_ =	sdelay $0x3  }
0x36: {  	p1 =	seq.s32 s10, $0x1;
	s10 =	sld [smem:$0x3FB4];
	_ =	sdelay $0x3  }
0x37: {  	[smem:$0x3FB4] =	sst s10  }
0x38: {  	s10 =	sld [smem:$0x3FB5]  }
0x39: {  	_ = 	snop;
	(pc) =	sbr.ind lr, $3  }
0x3a: {  	_ = 	snop  }
0x3b: {  	_ = 	snop  }
0x3c: {  	p2 =	seq.s32 s10, $0x1;
	s10 =	sld [smem:$0x3FB4]  }
0x3d: {  	_ =	shalt  }
0x3e: {  	_ =	shalt  }
0x3f: {  	_ =	shalt  }
0x40: {  	_ =	shalt  }
0x41: {  	_ =	shalt  }
0x42: {  	_ =	shalt  }
0x43: {  	_ =	shalt  }
0x44: {  	_ =	shalt  }
0x45: {  	_ =	shalt  }
0x46: {  	_ =	shalt  }
0x47: {  	_ =	shalt  }
0x48: {  	_ =	shalt  }
0x49: {  	_ =	shalt  }
0x4a: {  	_ =	shalt  }
0x4b: {  	_ =	shalt  }
0x4c: {  	_ =	shalt  }
0x4d: {  	_ =	shalt  }
0x4e: {  	_ =	shalt  }
0x4f: {  	_ =	shalt  }
0x50: {  	_ =	shalt  }
0x51: {  	_ =	shalt  }
0x52: {  	_ =	shalt  }
0x53: {  	_ =	shalt  }
0x54: {  	_ =	shalt  }
0x55: {  	_ =	shalt  }
0x56: {  	_ =	shalt  }
0x57: {  	_ =	shalt  }
0x58: {  	_ =	shalt  }
0x59: {  	_ =	shalt  }
0x5a: {  	_ =	shalt  }
0x5b: {  	_ =	shalt  }
0x5c: {  	_ =	shalt  }
0x5d: {  	_ =	shalt  }
0x5e: {  	_ =	shalt  }
0x5f: {  	_ =	shalt  }
0x60: {  	_ =	shalt  }
0x61: {  	_ =	shalt  }
0x62: {  	_ =	shalt  }
0x63: {  	_ =	shalt  }
0x64: {  	_ =	shalt  }
0x65: {  	_ =	shalt  }
0x66: {  	_ =	shalt  }
0x67: {  	_ =	shalt  }
0x68: {  	_ =	shalt  }
0x69: {  	_ =	shalt  }
0x6a: {  	_ =	shalt  }
0x6b: {  	_ =	shalt  }
0x6c: {  	_ =	shalt  }
0x6d: {  	_ =	shalt  }
0x6e: {  	_ =	shalt  }
0x6f: {  	_ =	shalt  }
0x70: {  	_ =	shalt  }
0x71: {  	_ =	shalt  }
0x72: {  	_ =	shalt  }
0x73: {  	_ =	shalt  }
0x74: {  	_ =	shalt  }
0x75: {  	_ =	shalt  }
0x76: {  	_ =	shalt  }
0x77: {  	_ =	shalt  }
0x78: {  	_ =	shalt  }
0x79: {  	_ =	shalt  }
0x7a: {  	_ =	shalt  }
0x7b: {  	_ =	shalt  }
0x7c: {  	_ =	shalt  }
0x7d: {  	_ =	shalt  }
0x7e: {  	_ =	shalt  }
0x7f: {  	_ =	shalt  }
0x80: {  	_ =	shalt  }
0x81: {  	_ =	shalt  }
0x82: {  	_ =	shalt  }
0x83: {  	_ =	shalt  }
0x84: {  	_ =	shalt  }
0x85: {  	_ =	shalt  }
0x86: {  	_ =	shalt  }
0x87: {  	_ =	shalt  }
.Lfunc_end0:
.L_simem_size_0:
called_computation.1_lowered:
.L_overlay_start_0:
0x88: {  	s2 =	sld [smem:$0x3FD9]  }
0x89: {  	s3 =	sld [smem:$0x3FFE];
	_ =	sdelay $0x1  }
0x8a: {  	s1 =	srdreg.scid  }
0x8b: {  	s0 =	sand.u32 $0x1, s1  }
0x8c: {  	s16 =	sshll.u32 s0, $0xA;
	s2 =	sadd.s32 s3, s2  }
0x8d: {  	s2 =	sadd.s32 s2, s16  }
0x8e: {  	[smem:$0x3FC0] =	sst s2  }
0x8f: {  	_ = 	snop  }
0x90: {  	(tm) =	ssettm $0x1  }
0x91: {  	s17 =	sld [smem:$0x3FFB];
	_ =	sdelay $0x3  }
0x92: {  	_ =	strace s17  }
0x93: {  	s2 =	sld [smem:$0x3FFC];
	_ =	sdelay $0x3  }
0x94: {  	_ =	strace s2  }
0x95: {  	s2 =	sld [smem:$0x3FFD];
	_ =	sdelay $0x3  }
0x96: {  	_ =	strace s2  }
0x97: {  	_ =	strace $0x8FFFFFFF  }
0x98: {  	s18 =	sld [smem:$0x3FDB];
	_ =	sdelay $0x1  }
0x99: {  	s19 =	simm.s32 $_scs_section_size  }
0x9a: {  	s4 =	simm.s32 $_size__tile_overlayer_lowered;
	s5 =	simm.s32 $_tile_overlayer_lowered  }
0x9b: {  	s22 =	simm.s32 $0x1BFF;
	s21 =	sshll.u32 s5, $0x1;
	s2 =	sadd.s32 s19, s18  }
0x9c: {  	s6 =	simm.s32 $0x0;
	s20 =	sshll.u32 s4, $0x1;
	s4 =	sadd.s32 s21, s2  }
0x9d: {  	[timem:s6], [sflag:s22] =	dma.local [hbm:s4], s20  }
0x9e: {  	_ =	swait.ge [sflag:s22], s20  }
0x9f: {  	s3 =	ssub.s32 $0x0, s20;
	[sflag:s22] =	ssyncset.done $0x0  }
0xa0: {  	[sflag:s22] =	ssyncadd.s32 s3;
	_ =	sdelay $0x1  }
0xa1: {  	s23 =	simm.s32 $0x1B8B  }
0xa2: {  	_ =	swait.ge [sflag:s23], $0x1  }
0xa3: {  	[sflag:s23] =	ssyncset.done $0x0  }
0xa4: {  	s25 =	simm.s32 $0x1B8E;
	s24 =	sld [smem:$0x3FFE];
	[sflag:s23] =	ssyncadd.s32 $0xFFFFFFFF  }
0xa5: {  	s26 =	simm.s32 $execute0_lowered;
	[smem:$0x3FD2] =	sst s25  }
0xa6: {  	s4 =	sshll.u32 s26, $0x1;
	_ =	strace $0x80000046;
	[dreg:$0x1] =	wrdreg $0xFFFFFFFF  }
0xa7: {  	s28 =	simm.s32 $_size_execute0_lowered;
	s2 =	sadd.s32 s2, s4;
	[dreg:$0x0] =	wrdreg $0x0  }
0xa8: {  	s4 =	sshll.u32 s28, $0x1;
	[dreg:$0x2] =	wrdreg s2  }
0xa9: {  	[dreg:$0x3] =	wrdreg s4  }
0xaa: {  	[dreg:$0x4] =	wrdreg $0xC0  }
0xab: {  	_ =	task [dreg:s6], $0x5FFFF  }
0xac: {  	[dreg:$0x1] =	wrdreg $0xFFFFFFFF  }
0xad: {  	[dreg:$0x0] =	wrdreg $0x60  }
0xae: {  	[dreg:$0x2] =	wrdreg s24  }
0xaf: {  	[dreg:$0x3] =	wrdreg $0xA  }
0xb0: {  	_ =	task.clear_ibuf [dreg:s6], $0x4FFFF;
	_ =	strace $0x90000046  }
0xb1: {  	s29 =	simm.s32 $0xA;
	_ =	strace $0x80000048  }
0xb2: {  	_ =	swait.ge [sflag:s29], $0x1  }
0xb3: {  	[sflag:s29] =	ssyncadd.s32 $0xFFFFFFFF  }
0xb4: {  	_ =	strace $0x90000048  }
0xb5: {  	_ =	sfence  }
0xb6: {  	s30 =	sld [smem:$0x0];
	_ =	sdelay $0x2  }
0xb7: {  	s31 =	sshll.u32 s1, $0xD;
	s1 =	sshrl.u32 s1, $0x2  }
0xb8: {  	s3 =	sand.u32 $0x4000, s31;
	s1 =	sadd.s32 s1, s30  }
0xb9: {  	s0 =	sor.u32 s3, s0;
	s1 =	sshll.u32 s1, $0x11  }
0xba: {  	s0 =	sor.u32 s1, s0  }
0xbb: {  	s0 =	sadd.s32 $0x8F2B, s0  }
0xbc: {  	[sflag:s0] =	ssyncadd.remote.s32 $0x1  }
0xbd: {  	_ =	sfence.sel $0xFFFF  }
0xbe: {  	[dreg:$0x0] =	wrdreg $0xFFFFFFFF;
	(pc) =	sbr.abs _section_cstart, $3  }
0xbf: {  	[dreg:$0x1] =	wrdreg $0xFFFFFFFF  }
0xc0: {  	_ =	task.clear_ibuf [dreg:s6], $0x2FFFF;
	_ =	strace $0x9FFFFFFF  }
0xc1: {  	(tm) =	ssettm $0x7FFFFFFF  }
tec
execute0_lowered:
.L_overlay_start_1:
0x0: {  	(tag) =	ssettag $0x1  }
0x1: {  	s7 =	rddreg [dreg:$0x0]  }
0x2: {  	s0 =	rddreg [dreg:$0x1];
	_ =	strace $0x80000047  }
0x3: {  	s1 =	srdreg.scid;
	s4 =	simm.s32 $0x1;
	s9 =	simm.s32 $0x3  }
0x4: {  	s12 =	simm.s32 $0x0;
	s10 =	simm.s32 $0x0;
	s5 =	sshll.u32 s1, $0x4  }
.Ltmp0:
0x5: {  	s1 =	stileid.u32;
	s5 =	sand.u32 $0x10, s5;
	(pc) =	sbr.rel .LBB2_1-.Ltmp0, $4  }
0x6: {  	s2 =	sadd.s32 $0x600, s7;
	s3 =	sadd.s32 $0x400, s7;
	s6 =	sor.u32 s1, s5  }
0x7: {  	[sflag:s4] =	ssyncpa.u1 $0x0;
	s5 =	simm.s32 $0x2;
	s6 =	sshll.u32 s6, $0x6  }
0x8: {  	s7 =	sadd.s32 $0x60600, s7;
	[sflag:s5] =	ssyncpa.u1 $0x0;
	s8 =	sadd.s32 $0x40, s6  }
0x9: {  	vm0 =	vmmov $0xff;
	vm1 =	vcmask $0x3F20;
	[sflag:s9] =	ssyncpa.u1 $0x0;
	s9 =	simm.s32 $0x40;
	s11 =	smov.u32 s6  }
.LBB2_11:
0xa: {  	p0 =	seq.s32 s10, $0x2  }
.Ltmp1:
0xb: {  	_ = 	snop;
	(pc) =	sbr.rel @p0 .LBB2_13-.Ltmp1, $1  }
0xc: {  	_ =	sdelay $0x3  }
.LBB2_12:
0xd: {  	s12 =	sadd.s32 $0x40, s11  }
0xe: {  	s13 =	smov.u32 s6;
	p0 =	slt.s32 s12, s8  }
0xf: {  	s13 =	smov.u32 @p0 s12  }
0x10: {  	s10 =	sadd.s32 $0x1, s10;
	s12 =	smov.u32 s11;
	s11 =	smov.u32 s13  }
.LBB2_1:
0x11: {  	p0 =	sne.s32 s10, $0x0  }
.Ltmp2:
0x12: {  	_ = 	snop;
	(pc) =	sbr.rel @!p0 .LBB2_2-.Ltmp2, $1  }
0x13: {  	_ =	sdelay $0x3  }
0x14: {  	s13 =	sand.u32 $0x1, s10  }
0x15: {  	p0 =	seq.s32 s13, $0x0  }
.Ltmp3:
0x16: {  	_ = 	snop;
	(pc) =	sbr.rel @p0 .LBB2_11-.Ltmp3, $1  }
0x17: {  	_ =	sdelay $0x3  }
0x18: {  	_ =	swait.ge [sflag:s5], $0x40  }
0x19: {  	[sflag:s5] =	ssyncset.done $0x0  }
0x1a: {  	s13 =	simm.s32 $0x0;
	s14 =	simm.s32 $0x80;
	[sflag:s5] =	ssyncadd.s32 $0xFFFFFFC0  }
.LBB2_5:
0x1b: {  	s15 =	sshll.u32 s13, $0x4  }
0x1c: {  	s15 =	sand.u32 $0x3FFFFFF0, s15  }
0x1d: {  	v0 =	vld.msk [tilespmem:s15+$0x40 ss:$0x1], $0xffff;
	_ =	sdelay $0x4  }
0x1e: {  	vm2 =	vgt.s32 v0, $0x0  }
0x1f: {  	v0 =	vnsel vm2, $0x0, v0  }
0x20: {  	v0 =	vmin.u32 v0, $0xFFF  }
0x21: {  	v1 =	vshrl.u32 v0, $0x3  }
0x22: {  	v0 =	vshll.u32 v0, $0x7;
	v1 =	vmul.u32 $0x1800, v1  }
0x23: {  	v0 =	vand.u32 $0x380, v0  }
0x24: {  	v0 =	vor.u32 v0, v1  }
0x25: {  	v0 =	vshrl.u32 v0, $0x3;
	_ =	sdelay $0x2  }
0x26: {  	s16 =	sadd.s32 $0xFFFFE800, s14  }
0x27: {  	s31 =	sadd.s32 $0xD800, s16;
	s16 =	sadd.s32 $0xF000, s16;
	s15 =	simm.s32 $0xFFFFB000  }
0x28: {  	v1 =	vadd.s32 $0x80, v0;
	[tilespmem:s31], [sflag:$0x1] =	stream.indirect_vreg.gather [hbm:s2], $0x80, v0, vm0, $0x38;
	[tilespmem:$0x18080] =	vst v63  }
.LBB2_6:
0x29: {  	[tilespmem:s16], [sflag:$0x1] =	stream.indirect_vreg.gather [hbm:s2], $0x80, v0, vm1, $0x38;
	[tilespmem:$0x18080] =	vst v63  }
0x2a: {  	v0 =	vmov v1;
	p0 =	sne.s32 s15, $0xFFFFF000  }
.Ltmp4:
0x2b: {  	s16 =	sshra.s32 s15, $0x2;
	(pc) =	sbr.rel @p0 .LBB2_6-.Ltmp4, $4  }
0x2c: {  	s15 =	sadd.s32 $0x1000, s15;
	s16 =	sadd.s32 s16, s14  }
0x2d: {  	s17 =	sadd.s32 $0xD800, s16  }
0x2e: {  	[tilespmem:s17], [sflag:$0x1] =	stream.indirect_vreg.gather [hbm:s2], $0x80, v1, vm0, $0x38;
	[tilespmem:$0x18080] =	vst v63  }
0x2f: {  	s16 =	sadd.s32 $0xF000, s16;
	v1 =	vadd.s32 $0x80, v1  }
0x30: {  	s13 =	sadd.s32 $0x1, s13  }
0x31: {  	p0 =	sne.s32 s13, $0x4  }
.Ltmp5:
0x32: {  	_ = 	snop;
	(pc) =	sbr.rel @p0 .LBB2_5-.Ltmp5, $3  }
0x33: {  	_ =	sdelay $0x1  }
0x34: {  	[tilespmem:s16], [sflag:$0x1] =	stream.indirect_vreg.gather [hbm:s2], $0x80, v0, vm1, $0x38;
	[tilespmem:$0x18080] =	vst v63  }
0x35: {  	s14 =	sadd.s32 $0x3000, s14  }
0x36: {  	s13 =	sshrl.u32 s12, $0x3  }
0x37: {  	s13 =	smul.u32 $0x300, s13  }
0x38: {  	_ =	swait.ge [sflag:s4], $0xC000;
	s31 =	sshll.u32 s12, $0x4  }
0x39: {  	s14 =	simm.s32 $0x300;
	s12 =	sand.u32 $0x70, s31;
	s13 =	sadd.s32 s13, s7  }
0x3a: {  	s15 =	simm.s32 $0xD880;
	[sflag:s4] =	ssyncset.done $0x0;
	s12 =	sadd.s32 s12, s13  }
0x3b: {  	[sflag:s4] =	ssyncadd.s32 $0xFFFF4000;
	s13 =	simm.s32 $0xC080;
	s16 =	sadd.s32 $0x0, s12  }
.LBB2_9:
0x3c: {  	[hbm:s16] =	stream.linear.scatter [tilespmem:s13], [sflag:$0x3], $0x1800, $0x38;
	[tilespmem:$0x18080] =	vst v63  }
0x3d: {  	s16 =	smov.u32 s14;
	s13 =	smov.u32 s15;
	p0 =	sne.s32 s14, $0x1500  }
.Ltmp6:
0x3e: {  	s14 =	sadd.s32 $0x300, s14;
	(pc) =	sbr.rel @p0 .LBB2_9-.Ltmp6, $2  }
0x3f: {  	_ =	sdelay $0x2  }
0x40: {  	s15 =	sadd.s32 $0x1800, s15;
	s16 =	sadd.s32 s16, s12  }
.Ltmp7:
0x41: {  	(pc) =	sbr.rel .LBB2_11-.Ltmp7, $2  }
0x42: {  	_ =	sdelay $0x2  }
0x43: {  	[hbm:s16] =	stream.linear.scatter [tilespmem:s13], [sflag:$0x3], $0x1800, $0x38;
	[tilespmem:$0x18080] =	vst v63  }
.LBB2_2:
.Ltmp8:
0x44: {  	(pc) =	sbr.rel .LBB2_12-.Ltmp8, $4  }
0x45: {  	_ = 	snop  }
0x46: {  	s12 =	sshrl.u32 s11, $0x3  }
0x47: {  	s13 =	sand.u32 $0x7, s11;
	s12 =	sadd.s32 s3, s12  }
0x48: {  	[tilespmem:s9], [sflag:$0x2] =	stream.linear.gather [hbm4b:s12+s13], $0x40, $0x38;
	[tilespmem:$0x18080] =	vst v63  }
.LBB2_13:
0x49: {  	s2 =	simm.s32 $0x3  }
0x4a: {  	_ =	swait.ge [sflag:s2], $0xC000  }
0x4b: {  	[sflag:s2] =	ssyncset.done $0x0  }
0x4c: {  	[sflag:s2] =	ssyncadd.s32 $0xFFFF4000  }
0x4d: {  	_ =	sfence.sel $0x180000  }
0x4e: {  	s3 =	simm.s32 $0x2;
	[bflag:$0x0] =	sbarrier.arrive $0xFFFF  }
0x4f: {  	[sflag:s3] =	ssyncpa.u1 $0x1  }
0x50: {  	s31 =	simm.s32 $0x1;
	[sflag:s2] =	ssyncpa.u1 $0x1  }
0x51: {  	[sflag:s31] =	ssyncpa.u1 $0x1  }
0x52: {  	p0 =	sne.s32 s1, $0x0;
	_ =	strace $0x90000047  }
0x53: {  	s0 =	sadd.s32 @!p0 $0x100000, s0;
	[bflag:$0x2] =	sbarrier.arrive $0xFFFF  }
0x54: {  	[sflag:s0] =	ssyncadd.tile.s32 @!p0 $0x1;
	_ =	shalt  }
.Lfunc_end2:
_tile_overlayer_lowered:
.L_overlay_start_2:
0x55: {  	(tag) =	ssettag $0x2  }
0x56: {  	s0 =	rddreg [dreg:$0x0];
	s2 =	stileid.u32  }
0x57: {  	s1 =	rddreg [dreg:$0x1];
	p0 =	sne.s32 s2, $0x0  }
0x58: {  	s3 =	rddreg [dreg:$0x2];
	[bflag:$0x3] =	sbarrier.arrive $0xFFFF;
	s2 =	simm.s32 @!p0 $0x1C01  }
0x59: {  	[timem:s3], [sflag:s2] =	dma.local @!p0 [hbm:s0], s1  }
0x5a: {  	s0 =	simm.s32 @!p0 $0x1  }
0x5b: {  	_ =	swait.ge @!p0 [sflag:s0], s1  }
0x5c: {  	s1 =	ssub.s32 @!p0 $0x0, s1;
	[sflag:s0] =	ssyncset.done @!p0 $0x0  }
0x5d: {  	[sflag:s0] =	ssyncadd.s32 @!p0 s1  }
0x5e: {  	[bflag:$0x3] =	sbarrier.arrive $0xFFFF  }
0x5f: {  	_ =	shalt  }

// kernel: gather_offload_async_start
scs
__scs_entry_jumppad:
0x0: {  	(pc) =	sbr.rel $0x88, $3  }
0x1: {  	(tag) =	ssettag $0x0;
	lr =	simm.s32 $0x1  }
0x2: {  	[smem:$0x3F99] =	sst lr;
	_ =	strace $0xD0000000  }
0x3: {  	_ = 	snop  }
0x4: {  	_ = 	snop  }
0x5: {  	_ = 	snop  }
0x6: {  	_ = 	snop  }
0x7: {  	_ = 	snop  }
__scs_overlays_trampoline_lowered:
0x8: {  	[smem:$0x3FA8] =	sst s0  }
0x9: {  	[smem:$0x3FA9] =	sst s1  }
0xa: {  	[smem:$0x3FAA] =	sst s2  }
0xb: {  	[smem:$0x3FAB] =	sst s3  }
0xc: {  	[smem:$0x3FAC] =	sst s4  }
0xd: {  	[smem:$0x3FAD] =	sst s5  }
0xe: {  	[smem:$0x3FAE] =	sst s6  }
0xf: {  	[smem:$0x3FAF] =	sst s7  }
0x10: {  	[smem:$0x3FB0] =	sst s8  }
0x11: {  	[smem:$0x3FB1] =	sst s9;
	s0 =	simm.s32 @!p0 $0x0  }
0x12: {  	s1 =	sld [smem:$0x3F97];
	s0 =	simm.s32 @p0 $0x1  }
0x13: {  	[smem:$0x3FB2] =	sst s0;
	s0 =	simm.s32 @!p1 $0x0  }
0x14: {  	s2 =	sld [smem:$0x3F96];
	s0 =	simm.s32 @p1 $0x1  }
0x15: {  	[smem:$0x3FB3] =	sst s0;
	s0 =	simm.s32 @!p2 $0x0  }
0x16: {  	s3 =	sld [smem:$0x3FDB];
	s0 =	simm.s32 @p2 $0x1  }
0x17: {  	s4 =	simm.s32 $0x1BF5;
	[smem:$0x3FB5] =	sst s0  }
0x18: {  	s0 =	sld [smem:$0x3F98];
	_ =	swait.ge [sflag:s4], $0x0  }
0x19: {  	s7 =	sld [smem:$0x3F99]  }
0x1a: {  	s8 =	sadd.s32 $0xFFFFE003, lr  }
0x1b: {  	s9 =	sadd.s32 $0xFFFFFEF7, lr;
	s5 =	simm.s32 $0xFFFFFFFF;
	p2 =	slt.u32 s8, $0xFFFFF086  }
0x1c: {  	p1 =	slt.u32 s9, $0xF7A;
	s5 =	simm.s32 @!p2 $0x0  }
0x1d: {  	s5 =	simm.s32 @p1 $0x1;
	p0 =	seq.s32 s7, s2  }
0x1e: {  	s7 =	smul.u32 @!p0 $0xF7A, s2;
	p2 =	seq.s32 @!p0 s5, $0x0  }
0x1f: {  	s9 =	smul.u32 $0xF7A, s1;
	s8 =	simm.s32 @!p0 $0x1BF5;
	p2 =	por !p2, p0  }
0x20: {  	[sflag:s8] =	ssyncset.s32 @!p0 $0xFFFFF086;
	s6 =	sadd.s32 @!p0 s3, s7;
	s7 =	simm.s32 @!p0 $0x108  }
0x21: {  	s3 =	sadd.s32 s3, s9;
	s6 =	sadd.s32 @!p0 $0x88, s6;
	s7 =	simm.s32 @p2 $0x1082  }
0x22: {  	[simem:s7], [sflag:s8] =	dma.local @!p0 [hbm:s6], $0xF7A  }
0x23: {  	s9 =	sor.u32 $0xD0000000, s2;
	s6 =	simm.s32 $0x108;
	_ =	swait.ge @!p0 [sflag:s8], $0x0  }
0x24: {  	s3 =	sadd.s32 $0x88, s3;
	s6 =	simm.s32 @!p1 $0x1082;
	[sflag:s4] =	ssyncset.s32 $0xFFFFF086  }
0x25: {  	[simem:s6], [sflag:s4] =	dma.local [hbm:s3], $0xF7A  }
0x26: {  	[smem:$0x3F99] =	sst s1;
	(tag) =	ssettag s2;
	_ =	strace s9  }
0x27: {  	s1 =	sld [smem:$0x3FA9]  }
0x28: {  	s2 =	sld [smem:$0x3FAA]  }
0x29: {  	s4 =	sld [smem:$0x3FAC]  }
0x2a: {  	p0 =	seq.s32 s5, $0x0;
	s5 =	sld [smem:$0x3FAD]  }
0x2b: {  	s6 =	sld [smem:$0x3FAE]  }
0x2c: {  	s7 =	sld [smem:$0x3FAF]  }
0x2d: {  	s3 =	simm.s32 $0x108;
	s8 =	sld [smem:$0x3FB0]  }
0x2e: {  	s3 =	simm.s32 @!p0 $0x1082;
	s9 =	sld [smem:$0x3FB1]  }
0x2f: {  	lr =	sadd.s32 s0, s3;
	s0 =	sld [smem:$0x3FA8]  }
0x30: {  	s3 =	sld [smem:$0x3FAB]  }
0x31: {  	[smem:$0x3FB4] =	sst s10  }
0x32: {  	s10 =	sld [smem:$0x3FB2];
	_ =	sdelay $0x3  }
0x33: {  	p0 =	seq.s32 s10, $0x1;
	s10 =	sld [smem:$0x3FB4];
	_ =	sdelay $0x3  }
0x34: {  	[smem:$0x3FB4] =	sst s10  }
0x35: {  	s10 =	sld [smem:$0x3FB3];
	_ =	sdelay $0x3  }
0x36: {  	p1 =	seq.s32 s10, $0x1;
	s10 =	sld [smem:$0x3FB4];
	_ =	sdelay $0x3  }
0x37: {  	[smem:$0x3FB4] =	sst s10  }
0x38: {  	s10 =	sld [smem:$0x3FB5]  }
0x39: {  	_ = 	snop;
	(pc) =	sbr.ind lr, $3  }
0x3a: {  	_ = 	snop  }
0x3b: {  	_ = 	snop  }
0x3c: {  	p2 =	seq.s32 s10, $0x1;
	s10 =	sld [smem:$0x3FB4]  }
0x3d: {  	_ =	shalt  }
0x3e: {  	_ =	shalt  }
0x3f: {  	_ =	shalt  }
0x40: {  	_ =	shalt  }
0x41: {  	_ =	shalt  }
0x42: {  	_ =	shalt  }
0x43: {  	_ =	shalt  }
0x44: {  	_ =	shalt  }
0x45: {  	_ =	shalt  }
0x46: {  	_ =	shalt  }
0x47: {  	_ =	shalt  }
0x48: {  	_ =	shalt  }
0x49: {  	_ =	shalt  }
0x4a: {  	_ =	shalt  }
0x4b: {  	_ =	shalt  }
0x4c: {  	_ =	shalt  }
0x4d: {  	_ =	shalt  }
0x4e: {  	_ =	shalt  }
0x4f: {  	_ =	shalt  }
0x50: {  	_ =	shalt  }
0x51: {  	_ =	shalt  }
0x52: {  	_ =	shalt  }
0x53: {  	_ =	shalt  }
0x54: {  	_ =	shalt  }
0x55: {  	_ =	shalt  }
0x56: {  	_ =	shalt  }
0x57: {  	_ =	shalt  }
0x58: {  	_ =	shalt  }
0x59: {  	_ =	shalt  }
0x5a: {  	_ =	shalt  }
0x5b: {  	_ =	shalt  }
0x5c: {  	_ =	shalt  }
0x5d: {  	_ =	shalt  }
0x5e: {  	_ =	shalt  }
0x5f: {  	_ =	shalt  }
0x60: {  	_ =	shalt  }
0x61: {  	_ =	shalt  }
0x62: {  	_ =	shalt  }
0x63: {  	_ =	shalt  }
0x64: {  	_ =	shalt  }
0x65: {  	_ =	shalt  }
0x66: {  	_ =	shalt  }
0x67: {  	_ =	shalt  }
0x68: {  	_ =	shalt  }
0x69: {  	_ =	shalt  }
0x6a: {  	_ =	shalt  }
0x6b: {  	_ =	shalt  }
0x6c: {  	_ =	shalt  }
0x6d: {  	_ =	shalt  }
0x6e: {  	_ =	shalt  }
0x6f: {  	_ =	shalt  }
0x70: {  	_ =	shalt  }
0x71: {  	_ =	shalt  }
0x72: {  	_ =	shalt  }
0x73: {  	_ =	shalt  }
0x74: {  	_ =	shalt  }
0x75: {  	_ =	shalt  }
0x76: {  	_ =	shalt  }
0x77: {  	_ =	shalt  }
0x78: {  	_ =	shalt  }
0x79: {  	_ =	shalt  }
0x7a: {  	_ =	shalt  }
0x7b: {  	_ =	shalt  }
0x7c: {  	_ =	shalt  }
0x7d: {  	_ =	shalt  }
0x7e: {  	_ =	shalt  }
0x7f: {  	_ =	shalt  }
0x80: {  	_ =	shalt  }
0x81: {  	_ =	shalt  }
0x82: {  	_ =	shalt  }
0x83: {  	_ =	shalt  }
0x84: {  	_ =	shalt  }
0x85: {  	_ =	shalt  }
0x86: {  	_ =	shalt  }
0x87: {  	_ =	shalt  }
.Lfunc_end0:
.L_simem_size_0:
called_computation_lowered:
.L_overlay_start_0:
0x88: {  	s2 =	sld [smem:$0x3FD9]  }
0x89: {  	s3 =	sld [smem:$0x3FFE];
	_ =	sdelay $0x1  }
0x8a: {  	s1 =	srdreg.scid  }
0x8b: {  	s0 =	sand.u32 $0x1, s1  }
0x8c: {  	s15 =	sshll.u32 s0, $0xA;
	s2 =	sadd.s32 s3, s2  }
0x8d: {  	s2 =	sadd.s32 s2, s15  }
0x8e: {  	[smem:$0x3FC0] =	sst s2  }
0x8f: {  	_ = 	snop  }
0x90: {  	s2 =	sld [smem:$0x3FD0];
	_ =	sdelay $0x2  }
0x91: {  	s16 =	simm.s32 $0xB;
	s4 =	simm.s32 $0x10  }
0x92: {  	[smem:s4], [sflag:s16] =	dma.local [hbm:s2], $0x1  }
0x93: {  	_ =	swait.eq [sflag:s16], $0x1  }
0x94: {  	[sflag:s16] =	ssyncset.done $0x0  }
0x95: {  	[sflag:s16] =	ssyncadd.s32 $0xFFFFFFFF  }
0x96: {  	s17 =	sld [smem:$0x10];
	(tm) =	ssettm $0x1  }
0x97: {  	s18 =	sld [smem:$0x3FFB];
	_ =	sdelay $0x3  }
0x98: {  	_ =	strace s18  }
0x99: {  	s2 =	sld [smem:$0x3FFC];
	_ =	sdelay $0x3  }
0x9a: {  	_ =	strace s2  }
0x9b: {  	s2 =	sld [smem:$0x3FFD];
	_ =	sdelay $0x3  }
0x9c: {  	_ =	strace s2  }
0x9d: {  	_ =	strace $0x8FFFFFFF  }
0x9e: {  	s19 =	sld [smem:$0x3FDB];
	_ =	sdelay $0x1  }
0x9f: {  	s20 =	simm.s32 $_scs_section_size  }
0xa0: {  	s5 =	simm.s32 $_size__tile_overlayer_lowered;
	s6 =	simm.s32 $_tile_overlayer_lowered  }
0xa1: {  	s7 =	simm.s32 $0x1BFF;
	s21 =	sshll.u32 s6, $0x1;
	s4 =	sadd.s32 s20, s19  }
0xa2: {  	s22 =	simm.s32 $0x0;
	s5 =	sshll.u32 s5, $0x1;
	s6 =	sadd.s32 s21, s4  }
0xa3: {  	[timem:s22], [sflag:s7] =	dma.local [hbm:s6], s5  }
0xa4: {  	_ =	swait.ge [sflag:s7], s5  }
0xa5: {  	s5 =	ssub.s32 $0x0, s5;
	[sflag:s7] =	ssyncset.done $0x0  }
0xa6: {  	[sflag:s7] =	ssyncadd.s32 s5;
	_ =	sdelay $0x1  }
0xa7: {  	s23 =	simm.s32 $0x1B8B  }
0xa8: {  	_ =	swait.ge [sflag:s23], $0x1  }
0xa9: {  	[sflag:s23] =	ssyncset.done $0x0  }
0xaa: {  	[sflag:s23] =	ssyncadd.s32 $0xFFFFFFFF  }
0xab: {  	s5 =	sld [smem:$0x0]  }
0xac: {  	s6 =	sand.u32 $0xFFFFFFFE, s1  }
0xad: {  	p0 =	sne.s32 s1, s6  }
0xae: {  	s6 =	sshll.u32 @p0 s6, $0xE  }
0xaf: {  	s6 =	sadd.s32 @p0 $0x11B8D, s6;
	s7 =	sshll.u32 @p0 s5, $0x11  }
0xb0: {  	s6 =	sor.u32 @p0 s7, s6  }
0xb1: {  	[sflag:s6] =	ssyncadd.remote.s32 @p0 $0x1;
	_ =	sdelay $0x1  }
0xb2: {  	s6 =	simm.s32 @p0 $0x1B8D  }
0xb3: {  	_ =	swait.eq @p0 [sflag:s6], $0x1  }
0xb4: {  	[sflag:s6] =	ssyncadd.s32 @p0 $0xFFFFFFFF  }
0xb5: {  	s7 =	sshll.u32 @!p0 s1, $0xE  }
0xb6: {  	s7 =	sor.u32 @!p0 $0x4000, s7;
	s6 =	simm.s32 @!p0 $0x1B8D  }
0xb7: {  	s5 =	sshll.u32 @!p0 s5, $0x11;
	s7 =	sadd.s32 @!p0 $0x11B8D, s7;
	_ =	swait.eq @!p0 [sflag:s6], $0x1  }
0xb8: {  	s5 =	sor.u32 @!p0 s5, s7;
	[sflag:s6] =	ssyncadd.s32 @!p0 $0xFFFFFFFF  }
0xb9: {  	s25 =	simm.s32 $0x1B8E;
	s24 =	sld [smem:$0x3FFE];
	[sflag:s5] =	ssyncadd.remote.s32 @!p0 $0x1  }
0xba: {  	s26 =	simm.s32 $execute0_lowered;
	[smem:$0x3FD2] =	sst s25  }
0xbb: {  	s6 =	sshll.u32 s26, $0x1;
	_ =	strace $0x80000049;
	[dreg:$0x1] =	wrdreg $0xFFFFFFFF  }
0xbc: {  	s28 =	simm.s32 $_size_execute0_lowered;
	s4 =	sadd.s32 s4, s6;
	[dreg:$0x0] =	wrdreg $0x0  }
0xbd: {  	s6 =	sshll.u32 s28, $0x1;
	[dreg:$0x2] =	wrdreg s4  }
0xbe: {  	[dreg:$0x3] =	wrdreg s6  }
0xbf: {  	[dreg:$0x4] =	wrdreg $0xC0  }
0xc0: {  	_ =	task [dreg:s22], $0x5FFFF  }
0xc1: {  	[dreg:$0x1] =	wrdreg $0xFFFFFFFF  }
0xc2: {  	[dreg:$0x0] =	wrdreg $0x60  }
0xc3: {  	[dreg:$0x2] =	wrdreg s24  }
0xc4: {  	[dreg:$0x3] =	wrdreg s17  }
0xc5: {  	[dreg:$0x4] =	wrdreg $0x9  }
0xc6: {  	_ =	task.clear_ibuf [dreg:s22], $0x5FFFF;
	_ =	strace $0x90000049  }
0xc7: {  	s29 =	simm.s32 $0x9;
	_ =	strace $0x8000004B  }
0xc8: {  	_ =	swait.ge [sflag:s29], $0x1  }
0xc9: {  	[sflag:s29] =	ssyncadd.s32 $0xFFFFFFFF  }
0xca: {  	_ =	strace $0x9000004B  }
0xcb: {  	_ =	sfence  }
0xcc: {  	s30 =	sld [smem:$0x0];
	_ =	sdelay $0x2  }
0xcd: {  	s31 =	sshll.u32 s1, $0xD;
	s1 =	sshrl.u32 s1, $0x2  }
0xce: {  	s4 =	sand.u32 $0x4000, s31;
	s1 =	sadd.s32 s1, s30  }
0xcf: {  	s0 =	sor.u32 s4, s0;
	s1 =	sshll.u32 s1, $0x11  }
0xd0: {  	s0 =	sor.u32 s1, s0  }
0xd1: {  	s0 =	sadd.s32 $0x8F2B, s0  }
0xd2: {  	[sflag:s0] =	ssyncadd.remote.s32 $0x1  }
0xd3: {  	_ =	sfence.sel $0xFFFF  }
0xd4: {  	[dreg:$0x0] =	wrdreg $0xFFFFFFFF;
	(pc) =	sbr.abs _section_cstart, $3  }
0xd5: {  	[dreg:$0x1] =	wrdreg $0xFFFFFFFF  }
0xd6: {  	_ =	task.clear_ibuf [dreg:s22], $0x2FFFF;
	_ =	strace $0x9FFFFFFF  }
0xd7: {  	(tm) =	ssettm $0x7FFFFFFF  }
tec
execute0_lowered:
.L_overlay_start_1:
0x0: {  	(tag) =	ssettag $0x1  }
0x1: {  	s2 =	rddreg [dreg:$0x0]  }
0x2: {  	s3 =	rddreg [dreg:$0x1]  }
0x3: {  	s0 =	rddreg [dreg:$0x2];
	s1 =	srdreg.scid;
	_ =	strace $0x8000004A  }
0x4: {  	s4 =	simm.s32 $0x1;
	s9 =	simm.s32 $0x3;
	s5 =	sshll.u32 s1, $0x4  }
.Ltmp0:
0x5: {  	s1 =	stileid.u32;
	s5 =	sand.u32 $0x10, s5;
	(pc) =	sbr.rel .LBB2_1-.Ltmp0, $4  }
0x6: {  	s12 =	simm.s32 $0x0;
	s10 =	simm.s32 $0x0;
	s6 =	sor.u32 s1, s5  }
0x7: {  	[sflag:s4] =	ssyncpa.u1 $0x0;
	s5 =	simm.s32 $0x2;
	s6 =	sshll.u32 s6, $0x6  }
0x8: {  	s7 =	sadd.s32 $0x600, s2;
	[sflag:s5] =	ssyncpa.u1 $0x0;
	s8 =	sadd.s32 $0x40, s6  }
0x9: {  	vm0 =	vmmov $0xff;
	vm1 =	vcmask $0x3F20;
	[sflag:s9] =	ssyncpa.u1 $0x0;
	s9 =	simm.s32 $0x40;
	s11 =	smov.u32 s6  }
.LBB2_11:
0xa: {  	p0 =	seq.s32 s10, $0x2  }
.Ltmp1:
0xb: {  	_ = 	snop;
	(pc) =	sbr.rel @p0 .LBB2_13-.Ltmp1, $1  }
0xc: {  	_ =	sdelay $0x3  }
.LBB2_12:
0xd: {  	s12 =	sadd.s32 $0x40, s11  }
0xe: {  	s13 =	smov.u32 s6;
	p0 =	slt.s32 s12, s8  }
0xf: {  	s13 =	smov.u32 @p0 s12  }
0x10: {  	s10 =	sadd.s32 $0x1, s10;
	s12 =	smov.u32 s11;
	s11 =	smov.u32 s13  }
.LBB2_1:
0x11: {  	p0 =	sne.s32 s10, $0x0  }
.Ltmp2:
0x12: {  	_ = 	snop;
	(pc) =	sbr.rel @!p0 .LBB2_2-.Ltmp2, $1  }
0x13: {  	_ =	sdelay $0x3  }
0x14: {  	s13 =	sand.u32 $0x1, s10  }
0x15: {  	p0 =	seq.s32 s13, $0x0  }
.Ltmp3:
0x16: {  	_ = 	snop;
	(pc) =	sbr.rel @p0 .LBB2_11-.Ltmp3, $1  }
0x17: {  	_ =	sdelay $0x3  }
0x18: {  	_ =	swait.ge [sflag:s5], $0x40  }
0x19: {  	[sflag:s5] =	ssyncset.done $0x0  }
0x1a: {  	s13 =	simm.s32 $0x0;
	s14 =	simm.s32 $0x80;
	[sflag:s5] =	ssyncadd.s32 $0xFFFFFFC0  }
.LBB2_5:
0x1b: {  	s15 =	sshll.u32 s13, $0x4  }
0x1c: {  	s15 =	sand.u32 $0x3FFFFFF0, s15  }
0x1d: {  	v0 =	vld.msk [tilespmem:s15+$0x40 ss:$0x1], $0xffff;
	_ =	sdelay $0x4  }
0x1e: {  	vm2 =	vgt.s32 v0, $0x0  }
0x1f: {  	v0 =	vnsel vm2, $0x0, v0  }
0x20: {  	v0 =	vmin.u32 v0, $0xFFF  }
0x21: {  	v1 =	vshrl.u32 v0, $0x3  }
0x22: {  	v0 =	vshll.u32 v0, $0x7;
	v1 =	vmul.u32 $0x1800, v1  }
0x23: {  	v0 =	vand.u32 $0x380, v0  }
0x24: {  	v0 =	vor.u32 v0, v1  }
0x25: {  	v0 =	vshrl.u32 v0, $0x3;
	_ =	sdelay $0x2  }
0x26: {  	s16 =	sadd.s32 $0xFFFFE800, s14  }
0x27: {  	s31 =	sadd.s32 $0xD800, s16;
	s16 =	sadd.s32 $0xF000, s16;
	s15 =	simm.s32 $0xFFFFB000  }
0x28: {  	v1 =	vadd.s32 $0x80, v0;
	[tilespmem:s31], [sflag:$0x1] =	stream.indirect_vreg.gather [hbm:s7], $0x80, v0, vm0, $0x38;
	[tilespmem:$0x18080] =	vst v63  }
.LBB2_6:
0x29: {  	[tilespmem:s16], [sflag:$0x1] =	stream.indirect_vreg.gather [hbm:s7], $0x80, v0, vm1, $0x38;
	[tilespmem:$0x18080] =	vst v63  }
0x2a: {  	v0 =	vmov v1;
	p0 =	sne.s32 s15, $0xFFFFF000  }
.Ltmp4:
0x2b: {  	s16 =	sshra.s32 s15, $0x2;
	(pc) =	sbr.rel @p0 .LBB2_6-.Ltmp4, $4  }
0x2c: {  	s15 =	sadd.s32 $0x1000, s15;
	s16 =	sadd.s32 s16, s14  }
0x2d: {  	s17 =	sadd.s32 $0xD800, s16  }
0x2e: {  	[tilespmem:s17], [sflag:$0x1] =	stream.indirect_vreg.gather [hbm:s7], $0x80, v1, vm0, $0x38;
	[tilespmem:$0x18080] =	vst v63  }
0x2f: {  	s16 =	sadd.s32 $0xF000, s16;
	v1 =	vadd.s32 $0x80, v1  }
0x30: {  	s13 =	sadd.s32 $0x1, s13  }
0x31: {  	p0 =	sne.s32 s13, $0x4  }
.Ltmp5:
0x32: {  	_ = 	snop;
	(pc) =	sbr.rel @p0 .LBB2_5-.Ltmp5, $3  }
0x33: {  	_ =	sdelay $0x1  }
0x34: {  	[tilespmem:s16], [sflag:$0x1] =	stream.indirect_vreg.gather [hbm:s7], $0x80, v0, vm1, $0x38;
	[tilespmem:$0x18080] =	vst v63  }
0x35: {  	s14 =	sadd.s32 $0x3000, s14  }
0x36: {  	s13 =	sshrl.u32 s12, $0x3  }
0x37: {  	s13 =	smul.u32 $0x300, s13  }
0x38: {  	_ =	swait.ge [sflag:s4], $0xC000;
	s31 =	sshll.u32 s12, $0x4  }
0x39: {  	s14 =	simm.s32 $0x300;
	s12 =	sand.u32 $0x70, s31;
	s13 =	sadd.s32 s13, s3  }
0x3a: {  	s15 =	simm.s32 $0xD880;
	[sflag:s4] =	ssyncset.done $0x0;
	s12 =	sadd.s32 s12, s13  }
0x3b: {  	[sflag:s4] =	ssyncadd.s32 $0xFFFF4000;
	s13 =	simm.s32 $0xC080;
	s16 =	sadd.s32 $0x0, s12  }
.LBB2_9:
0x3c: {  	[hbm:s16] =	stream.linear.scatter [tilespmem:s13], [sflag:$0x3], $0x1800, $0x38;
	[tilespmem:$0x18080] =	vst v63  }
0x3d: {  	s16 =	smov.u32 s14;
	s13 =	smov.u32 s15;
	p0 =	sne.s32 s14, $0x1500  }
.Ltmp6:
0x3e: {  	s14 =	sadd.s32 $0x300, s14;
	(pc) =	sbr.rel @p0 .LBB2_9-.Ltmp6, $2  }
0x3f: {  	_ =	sdelay $0x2  }
0x40: {  	s15 =	sadd.s32 $0x1800, s15;
	s16 =	sadd.s32 s16, s12  }
.Ltmp7:
0x41: {  	(pc) =	sbr.rel .LBB2_11-.Ltmp7, $2  }
0x42: {  	_ =	sdelay $0x2  }
0x43: {  	[hbm:s16] =	stream.linear.scatter [tilespmem:s13], [sflag:$0x3], $0x1800, $0x38;
	[tilespmem:$0x18080] =	vst v63  }
.LBB2_2:
.Ltmp8:
0x44: {  	(pc) =	sbr.rel .LBB2_12-.Ltmp8, $4  }
0x45: {  	_ = 	snop  }
0x46: {  	s12 =	sshrl.u32 s11, $0x3  }
0x47: {  	s13 =	sand.u32 $0x7, s11;
	s12 =	sadd.s32 s2, s12  }
0x48: {  	[tilespmem:s9], [sflag:$0x2] =	stream.linear.gather [hbm4b:s12+s13], $0x40, $0x38;
	[tilespmem:$0x18080] =	vst v63  }
.LBB2_13:
0x49: {  	s2 =	simm.s32 $0x3  }
0x4a: {  	_ =	swait.ge [sflag:s2], $0xC000  }
0x4b: {  	[sflag:s2] =	ssyncset.done $0x0  }
0x4c: {  	[sflag:s2] =	ssyncadd.s32 $0xFFFF4000  }
0x4d: {  	_ =	sfence.sel $0x180000  }
0x4e: {  	s3 =	simm.s32 $0x2;
	[bflag:$0x0] =	sbarrier.arrive $0xFFFF  }
0x4f: {  	[sflag:s3] =	ssyncpa.u1 $0x1  }
0x50: {  	s31 =	simm.s32 $0x1;
	[sflag:s2] =	ssyncpa.u1 $0x1  }
0x51: {  	[sflag:s31] =	ssyncpa.u1 $0x1  }
0x52: {  	p0 =	sne.s32 s1, $0x0;
	_ =	strace $0x9000004A  }
0x53: {  	s0 =	sadd.s32 @!p0 $0x100000, s0;
	[bflag:$0x2] =	sbarrier.arrive $0xFFFF  }
0x54: {  	[sflag:s0] =	ssyncadd.tile.s32 @!p0 $0x1;
	_ =	shalt  }
.Lfunc_end2:
_tile_overlayer_lowered:
.L_overlay_start_2:
0x55: {  	(tag) =	ssettag $0x2  }
0x56: {  	s0 =	rddreg [dreg:$0x0];
	s2 =	stileid.u32  }
0x57: {  	s1 =	rddreg [dreg:$0x1];
	p0 =	sne.s32 s2, $0x0  }
0x58: {  	s3 =	rddreg [dreg:$0x2];
	[bflag:$0x3] =	sbarrier.arrive $0xFFFF;
	s2 =	simm.s32 @!p0 $0x1C01  }
0x59: {  	[timem:s3], [sflag:s2] =	dma.local @!p0 [hbm:s0], s1  }
0x5a: {  	s0 =	simm.s32 @!p0 $0x1  }
0x5b: {  	_ =	swait.ge @!p0 [sflag:s0], s1  }
0x5c: {  	s1 =	ssub.s32 @!p0 $0x0, s1;
	[sflag:s0] =	ssyncset.done @!p0 $0x0  }
0x5d: {  	[sflag:s0] =	ssyncadd.s32 @!p0 s1  }
0x5e: {  	[bflag:$0x3] =	sbarrier.arrive $0xFFFF  }
0x5f: {  	_ =	shalt  }

</sc_bundles>
